<compile_context>
chip_gen: v7x
topology: tpu7x:2x2x1
jax: 0.10.2.dev20260603
libtpu: 0.0.44.dev20260713+nightly
codegen_flags: <defaults>
</compile_context>

<pallas_src>
import jax
import jax.numpy as jnp
from jax import lax
from jax.experimental import pallas as pl
from jax.experimental.pallas import tpu as pltpu
from jax.experimental.pallas import tpu_sc as plsc

B, L = 4096, 200
E = 64
H = E // 4
P = 1000000 + 1
NUM_HOURS = 24 + 1
HP = 32

NC, NS = 2, 16
NW = NC * NS

N_TOK = B * L
HB = B // 2

PROJ_BLK = 4096
N_PROJ_BLKS = -(-P // (2 * PROJ_BLK))
P_HALF = N_PROJ_BLKS * PROJ_BLK
TBL_MINOR_BLKS = -(-P // PROJ_BLK)

N_PIPE = 5
LC = L // N_PIPE
N_TOKC = N_TOK // N_PIPE
CHUNK = 512
OUT_ROWS_PER_W = (N_TOKC // 2) // NW
N_OCHUNKS = OUT_ROWS_PER_W // CHUNK


def _proj_body(pa_ref, pb_ref, w1_ref, htab_ref, w2_ref, b_ref,
               out_ref, hp_ref):
    dn = (((0,), (1,)), ((), ()))
    pa = lax.dot_general(pa_ref[...], w1_ref[...], dn,
                         preferred_element_type=jnp.float32)
    pb = lax.dot_general(pb_ref[...], w1_ref[...], dn,
                         preferred_element_type=jnp.float32)
    out_ref[...] = jnp.concatenate([pa, pb], axis=1)
    hp_ref[...] = lax.dot_general(
        htab_ref[...], w2_ref[...], (((1,), (1,)), ((), ())),
        preferred_element_type=jnp.float32) + b_ref[...]


def _tc_project(poi_t, w1, htab_pad, w2, fc_b):
    return pl.pallas_call(
        _proj_body,
        grid=(N_PROJ_BLKS,),
        in_specs=[
            pl.BlockSpec((E, PROJ_BLK), lambda i: (0, i)),
            pl.BlockSpec((E, PROJ_BLK),
                         lambda i: (0, jnp.minimum(i + N_PROJ_BLKS,
                                                   TBL_MINOR_BLKS - 1))),
            pl.BlockSpec((E, E), lambda i: (0, 0)),
            pl.BlockSpec((HP, H), lambda i: (0, 0)),
            pl.BlockSpec((E, H), lambda i: (0, 0)),
            pl.BlockSpec((1, E), lambda i: (0, 0)),
        ],
        out_specs=[
            pl.BlockSpec((PROJ_BLK, 2 * E), lambda i: (i, 0)),
            pl.BlockSpec((HP, E), lambda i: (0, 0)),
        ],
        out_shape=[
            jax.ShapeDtypeStruct((P_HALF, 2 * E), jnp.float32),
            jax.ShapeDtypeStruct((HP, E), jnp.float32),
        ],
        compiler_params=pltpu.CompilerParams(
            dimension_semantics=("parallel",)),
    )(poi_t, poi_t, w1, htab_pad, w2, fc_b)


def _sc_gather_body(idx_hbm, table_hbm, out_hbm,
                    idx_a, idx_b, rows_a, rows_b, sem):
    wid = lax.axis_index("s") * NC + lax.axis_index("c")
    base = wid * OUT_ROWS_PER_W

    def step(i, carry):
        r0 = base + i * CHUNK
        off_a = r0 + (r0 // HB) * HB
        off_b = off_a + HB
        pltpu.sync_copy(idx_hbm.at[pl.ds(off_a, CHUNK)], idx_a)
        pltpu.sync_copy(idx_hbm.at[pl.ds(off_b, CHUNK)], idx_b)
        pltpu.async_copy(table_hbm.at[idx_a], rows_a, sem).wait()
        pltpu.async_copy(table_hbm.at[idx_b], rows_b, sem).wait()
        pltpu.sync_copy(rows_a, out_hbm.at[pl.ds(r0, CHUNK), pl.ds(0, E)])
        pltpu.sync_copy(rows_b, out_hbm.at[pl.ds(r0, CHUNK), pl.ds(E, E)])
        return carry

    lax.fori_loop(0, N_OCHUNKS, step, 0)


def _sc_gather(token_flat, table_lin):
    mesh = plsc.VectorSubcoreMesh(
        core_axis_name="c", subcore_axis_name="s",
        num_cores=NC, num_subcores=NS,
    )
    kern = pl.kernel(
        _sc_gather_body,
        out_type=jax.ShapeDtypeStruct((N_TOKC // 2, 2 * E), jnp.float32),
        mesh=mesh,
        compiler_params=pltpu.CompilerParams(use_tc_tiling_on_sc=False),
        scratch_types=[
            pltpu.VMEM((CHUNK,), jnp.int32),
            pltpu.VMEM((CHUNK,), jnp.int32),
            pltpu.VMEM((CHUNK, E), jnp.float32),
            pltpu.VMEM((CHUNK, E), jnp.float32),
            pltpu.SemaphoreType.DMA,
        ],
    )
    return kern(token_flat, table_lin)


def _fin_body(g_ref, hid_ref, hp_ref, out_ref):
    g = g_ref[...]
    hid = hid_ref[0, 0, :]
    iota = lax.broadcasted_iota(jnp.int32, (HP, HB), 0)
    oha = (hid[None, :HB] == iota).astype(jnp.float32)
    ohb = (hid[None, HB:] == iota).astype(jnp.float32)
    hp = hp_ref[...]
    dn = (((0,), (0,)), ((), ()))
    hca = lax.dot_general(hp, oha, dn,
                          preferred_element_type=jnp.float32)
    hcb = lax.dot_general(hp, ohb, dn,
                          preferred_element_type=jnp.float32)
    ya = jnp.tanh(g[:, :E].T + hca)
    yb = jnp.tanh(g[:, E:].T + hcb)
    out_ref[0] = jnp.concatenate([ya, yb], axis=1)


def _fin_body_acc(acc_ref, g_ref, hid_ref, hp_ref, out_ref):
    _fin_body(g_ref, hid_ref, hp_ref, out_ref)


def _tc_finish(gathered_k, hour_blk, hproj, k, acc):
    data_specs = [
        pl.BlockSpec((HB, 2 * E), lambda i: (i, 0)),
        pl.BlockSpec((1, 1, B), lambda i: (i + k * LC, 0, 0)),
        pl.BlockSpec((HP, E), lambda i: (0, 0)),
    ]
    common = dict(
        grid=(LC,),
        out_specs=pl.BlockSpec((1, E, B), lambda i: (i + k * LC, 0, 0)),
        out_shape=jax.ShapeDtypeStruct((L, E, B), jnp.float32),
        compiler_params=pltpu.CompilerParams(
            dimension_semantics=("parallel",)),
    )
    if k == 0:
        return pl.pallas_call(
            _fin_body, in_specs=data_specs, **common,
        )(gathered_k, hour_blk, hproj)
    return pl.pallas_call(
        _fin_body_acc,
        in_specs=[pl.BlockSpec((1, 8, 128), lambda i: (0, 0, 0))]
        + data_specs,
        input_output_aliases={0: 0},
        **common,
    )(acc, gathered_k, hour_blk, hproj)


@jax.jit
def kernel(token_seq, hour_seq, poi_table, hour_table, fc_w, fc_b):
    htab_pad = jnp.zeros((HP, H), jnp.float32).at[:NUM_HOURS].set(hour_table)
    proj, hproj = _tc_project(poi_table.T, fc_w[:, :E], htab_pad, fc_w[:, E:],
                              fc_b.reshape(1, E))
    table_lin = proj.reshape(2 * P_HALF, E)

    tok = token_seq.T.reshape(N_TOK).astype(jnp.int32)
    tok2 = jnp.where(tok < P_HALF, 2 * tok, 2 * (tok - P_HALF) + 1)
    hour_blk = hour_seq.T.reshape(L, 1, B).astype(jnp.int32)

    gathered = [
        _sc_gather(lax.slice(tok2, (k * N_TOKC,), ((k + 1) * N_TOKC,)),
                   table_lin)
        for k in range(N_PIPE)
    ]
    acc = None
    for k in range(N_PIPE):
        acc = _tc_finish(gathered[k], hour_blk, hproj, k, acc)
    return acc.transpose(2, 0, 1)

# --- scband reference (transcript-rebuilt; emitter-appended) ---
"""Pipeline reference for scband-lstm-time-aware-embedding-2430951489774 (READ-ONLY COPY).

The authoritative reference and input builder live on the scoring server;
editing this copy changes nothing except your own understanding.
"""

import jax, jax.numpy as jnp
import numpy as np

B, L = 4096, 200
E = 64
H = E // 4  # 16
P = 1000000 + 1  # poi_nums + 1 (padding row 0)
NUM_HOURS = 24 + 1

def setup_inputs(seed: int = 0) -> dict:
    key = jax.random.key(seed)
    k1, k2, k3, k4, k5, k6 = jax.random.split(key, 6)
    token_seq = jax.random.randint(k1, (B, L), 0, P)
    hour_seq = jax.random.randint(k2, (B, L), 0, NUM_HOURS)
    poi_table = jax.random.normal(k3, (P, E), dtype=jnp.float32)
    poi_table = poi_table.at[0].set(0.0)  # padding_idx=0
    hour_table = jax.random.normal(k4, (NUM_HOURS, H), dtype=jnp.float32)
    hour_table = hour_table.at[0].set(0.0)  # padding_idx=0
    fan_in = E + H
    bound = 1.0 / np.sqrt(fan_in)
    fc_w = jax.random.uniform(k5, (E, fan_in), minval=-bound, maxval=bound, dtype=jnp.float32)
    fc_b = jax.random.uniform(k6, (E,), minval=-bound, maxval=bound, dtype=jnp.float32)
    return {"token_seq": token_seq, "hour_seq": hour_seq, "poi_table": poi_table,
            "hour_table": hour_table, "fc_w": fc_w, "fc_b": fc_b}

def reference(token_seq, hour_seq, poi_table, hour_table, fc_w, fc_b):
    # view == 'poi' branch
    token_emb = jnp.take(poi_table, token_seq, axis=0)      # [B, L, E]
    hour_emb = jnp.take(hour_table, hour_seq, axis=0)       # [B, L, E//4]
    x = jnp.concatenate([token_emb, hour_emb], axis=-1)     # [B, L, E + E//4]
    out = jnp.tanh(x @ fc_w.T + fc_b)                       # [B, L, E]
    # dropout is identity in eval mode
    return out

if __name__ == "__main__":
    import jax
    _d = setup_inputs()
    print(jax.jit(kernel)(*tuple(_d.values())))

</pallas_src>

<mosaic_0001>
#map = affine_map<(d0, d1) -> (0)>
#map1 = affine_map<(d0, d1) -> (0, 0)>
module attributes {stable_mosaic.version = 14 : i64} {
  func.func @_sc_gather_body(%arg0: i32, %arg1: i32, %arg2: memref<163840xi32, #tpu.memory_space<hbm>>, %arg3: memref<1007616x64xf32, #tpu.memory_space<hbm>>, %arg4: memref<81920x128xf32, #tpu.memory_space<hbm>>, %arg5: memref<512xi32, #tpu.memory_space<vmem>>, %arg6: memref<512xi32, #tpu.memory_space<vmem>>, %arg7: memref<512x64xf32, #tpu.memory_space<vmem>>, %arg8: memref<512x64xf32, #tpu.memory_space<vmem>>, %arg9: memref<!tpu.dma_semaphore, #tpu.memory_space<semaphore_mem>>) attributes {dimension_semantics = [#tpu.dimension_semantics<core_parallel>, #tpu.dimension_semantics<subcore_parallel>], iteration_bounds = array<i64: 2, 16>, scalar_prefetch = 0 : i64, scratch_operands = 5 : i64, tpu.core_type = #tpu.core_type<sc_vector_subcore>, window_params = [{transform_indices = #map}, {transform_indices = #map1}, {transform_indices = #map1}]} {
    %mul3A = arith.constant 2 : i32
    %mul3A_0 = arith.muli %arg1, %mul3A : i32
    %add3A = arith.addi %mul3A_0, %arg0 : i32
    %mul3A_1 = arith.constant 2560 : i32
    %mul3A_2 = arith.muli %add3A, %mul3A_1 : i32
    %scan3A = arith.constant 0 : i32
    %scan3A_3 = arith.constant 0 : i32
    %scan3A_4 = arith.constant 5 : i32
    %scan3A_5 = arith.addi %scan3A_3, %scan3A_4 : i32
    %scan3A_6 = arith.constant 1 : i32
    scf.for %scan3A_8 = %scan3A_3 to %scan3A_5 step %scan3A_6  : i32 {
      %mul3A_9 = arith.constant 512 : i32
      %mul3A_10 = arith.muli %scan3A_8, %mul3A_9 : i32
      %add3A_11 = arith.addi %mul3A_2, %mul3A_10 : i32
      %jit3A = arith.constant 2048 : i32
      %div3A = arith.divsi %add3A_11, %jit3A : i32
      %sign3A = arith.constant 0 : i32
      %sign3A_12 = arith.cmpi sgt, %add3A_11, %sign3A : i32
      %sign3A_13 = arith.extui %sign3A_12 : i1 to i32
      %sign3A_14 = arith.constant 0 : i32
      %sign3A_15 = arith.cmpi slt, %add3A_11, %sign3A_14 : i32
      %sign3A_16 = arith.extui %sign3A_15 : i1 to i32
      %sign3A_17 = arith.subi %sign3A_13, %sign3A_16 : i32
      %sign3A_18 = arith.constant 0 : i32
      %sign3A_19 = arith.cmpi sgt, %jit3A, %sign3A_18 : i32
      %sign3A_20 = arith.extui %sign3A_19 : i1 to i32
      %sign3A_21 = arith.constant 0 : i32
      %sign3A_22 = arith.cmpi slt, %jit3A, %sign3A_21 : i32
      %sign3A_23 = arith.extui %sign3A_22 : i1 to i32
      %sign3A_24 = arith.subi %sign3A_20, %sign3A_23 : i32
      %ne3A = arith.cmpi ne, %sign3A_17, %sign3A_24 : i32
      %rem3A = arith.remsi %add3A_11, %jit3A : i32
      %ne3A_25 = arith.constant 0 : i32
      %ne3A_26 = arith.cmpi ne, %rem3A, %ne3A_25 : i32
      %and3A = arith.andi %ne3A, %ne3A_26 : i1
      %sub3A = arith.constant 1 : i32
      %sub3A_27 = arith.subi %div3A, %sub3A : i32
      %select_n3A = arith.select %and3A, %sub3A_27, %div3A : i32
      %mul3A_28 = arith.constant 2048 : i32
      %mul3A_29 = arith.muli %select_n3A, %mul3A_28 : i32
      %add3A_30 = arith.addi %add3A_11, %mul3A_29 : i32
      %add3A_31 = arith.constant 2048 : i32
      %add3A_32 = arith.addi %add3A_30, %add3A_31 : i32
      "tpu.region"() ({
        %run_scoped3A = tpu.sem_alloc : memref<!tpu.dma_semaphore, #tpu.memory_space<semaphore_mem>>
        %dma_start3A_43 = tpu.memref_slice %arg2[%add3A_30] : memref<163840xi32, #tpu.memory_space<hbm>> -> memref<512xi32, #tpu.memory_space<hbm>>
        %dma_start3A_44 = tpu.memref_slice %arg2[%add3A_30] : memref<163840xi32, #tpu.memory_space<hbm>> -> memref<512xi32, #tpu.memory_space<hbm>>
        tpu.enqueue_dma source(%dma_start3A_44 : memref<512xi32, #tpu.memory_space<hbm>>) target(%arg5 : memref<512xi32, #tpu.memory_space<vmem>>) target_semaphore(%run_scoped3A : memref<!tpu.dma_semaphore, #tpu.memory_space<semaphore_mem>>)
        %dma_wait3A_45 = tpu.memref_slice %arg2[%add3A_30] : memref<163840xi32, #tpu.memory_space<hbm>> -> memref<512xi32, #tpu.memory_space<hbm>>
        %dma_wait3A_46 = tpu.memref_slice %arg2[%add3A_30] : memref<163840xi32, #tpu.memory_space<hbm>> -> memref<512xi32, #tpu.memory_space<hbm>>
        tpu.wait_dma2 semaphore(%run_scoped3A : memref<!tpu.dma_semaphore, #tpu.memory_space<semaphore_mem>>) src(%dma_wait3A_46 : memref<512xi32, #tpu.memory_space<hbm>>) dst(%arg5 : memref<512xi32, #tpu.memory_space<vmem>>)
        tpu.yield
      }) : () -> ()
      "tpu.region"() ({
        %run_scoped3A = tpu.sem_alloc : memref<!tpu.dma_semaphore, #tpu.memory_space<semaphore_mem>>
        %dma_start3A_43 = tpu.memref_slice %arg2[%add3A_32] : memref<163840xi32, #tpu.memory_space<hbm>> -> memref<512xi32, #tpu.memory_space<hbm>>
        %dma_start3A_44 = tpu.memref_slice %arg2[%add3A_32] : memref<163840xi32, #tpu.memory_space<hbm>> -> memref<512xi32, #tpu.memory_space<hbm>>
        tpu.enqueue_dma source(%dma_start3A_44 : memref<512xi32, #tpu.memory_space<hbm>>) target(%arg6 : memref<512xi32, #tpu.memory_space<vmem>>) target_semaphore(%run_scoped3A : memref<!tpu.dma_semaphore, #tpu.memory_space<semaphore_mem>>)
        %dma_wait3A_45 = tpu.memref_slice %arg2[%add3A_32] : memref<163840xi32, #tpu.memory_space<hbm>> -> memref<512xi32, #tpu.memory_space<hbm>>
        %dma_wait3A_46 = tpu.memref_slice %arg2[%add3A_32] : memref<163840xi32, #tpu.memory_space<hbm>> -> memref<512xi32, #tpu.memory_space<hbm>>
        tpu.wait_dma2 semaphore(%run_scoped3A : memref<!tpu.dma_semaphore, #tpu.memory_space<semaphore_mem>>) src(%dma_wait3A_46 : memref<512xi32, #tpu.memory_space<hbm>>) dst(%arg6 : memref<512xi32, #tpu.memory_space<vmem>>)
        tpu.yield
      }) : () -> ()
      %dma_start3A = arith.constant 0 : i32
      %dma_start3A_33 = arith.constant 0 : i32
      %dma_start3A_34 = tpu.memref_slice %arg3[%dma_start3A, %dma_start3A_33] : memref<1007616x64xf32, #tpu.memory_space<hbm>> -> memref<1007616x64xf32, #tpu.memory_space<hbm>>
      tpu.enqueue_indirect_dma source(%dma_start3A_34 : memref<1007616x64xf32, #tpu.memory_space<hbm>>) target(%arg7 : memref<512x64xf32, #tpu.memory_space<vmem>>) offsets(%arg5 : memref<512xi32, #tpu.memory_space<vmem>>) semaphore(%arg9 : memref<!tpu.dma_semaphore, #tpu.memory_space<semaphore_mem>>)
      %dma_wait3A = arith.constant 0 : i32
      %dma_wait3A_35 = arith.constant 0 : i32
      %dma_wait3A_36 = tpu.memref_slice %arg3[%dma_wait3A, %dma_wait3A_35] : memref<1007616x64xf32, #tpu.memory_space<hbm>> -> memref<1007616x64xf32, #tpu.memory_space<hbm>>
      tpu.wait_indirect_dma semaphore(%arg9 : memref<!tpu.dma_semaphore, #tpu.memory_space<semaphore_mem>>) src(%dma_wait3A_36 : memref<1007616x64xf32, #tpu.memory_space<hbm>>) dst(%arg7 : memref<512x64xf32, #tpu.memory_space<vmem>>)
      %dma_start3A_37 = arith.constant 0 : i32
      %dma_start3A_38 = arith.constant 0 : i32
      %dma_start3A_39 = tpu.memref_slice %arg3[%dma_start3A_37, %dma_start3A_38] : memref<1007616x64xf32, #tpu.memory_space<hbm>> -> memref<1007616x64xf32, #tpu.memory_space<hbm>>
      tpu.enqueue_indirect_dma source(%dma_start3A_39 : memref<1007616x64xf32, #tpu.memory_space<hbm>>) target(%arg8 : memref<512x64xf32, #tpu.memory_space<vmem>>) offsets(%arg6 : memref<512xi32, #tpu.memory_space<vmem>>) semaphore(%arg9 : memref<!tpu.dma_semaphore, #tpu.memory_space<semaphore_mem>>)
      %dma_wait3A_40 = arith.constant 0 : i32
      %dma_wait3A_41 = arith.constant 0 : i32
      %dma_wait3A_42 = tpu.memref_slice %arg3[%dma_wait3A_40, %dma_wait3A_41] : memref<1007616x64xf32, #tpu.memory_space<hbm>> -> memref<1007616x64xf32, #tpu.memory_space<hbm>>
      tpu.wait_indirect_dma semaphore(%arg9 : memref<!tpu.dma_semaphore, #tpu.memory_space<semaphore_mem>>) src(%dma_wait3A_42 : memref<1007616x64xf32, #tpu.memory_space<hbm>>) dst(%arg8 : memref<512x64xf32, #tpu.memory_space<vmem>>)
      "tpu.region"() ({
        %run_scoped3A = tpu.sem_alloc : memref<!tpu.dma_semaphore, #tpu.memory_space<semaphore_mem>>
        %dma_start3A_43 = arith.constant 0 : i32
        %dma_start3A_44 = tpu.memref_slice %arg4[%add3A_11, %dma_start3A_43] : memref<81920x128xf32, #tpu.memory_space<hbm>> -> memref<512x64xf32, #tpu.memory_space<hbm>>
        %dma_start3A_45 = arith.constant 0 : i32
        %dma_start3A_46 = tpu.memref_slice %arg4[%add3A_11, %dma_start3A_45] : memref<81920x128xf32, #tpu.memory_space<hbm>> -> memref<512x64xf32, #tpu.memory_space<hbm>>
        tpu.enqueue_dma source(%arg7 : memref<512x64xf32, #tpu.memory_space<vmem>>) target(%dma_start3A_46 : memref<512x64xf32, #tpu.memory_space<hbm>>) target_semaphore(%run_scoped3A : memref<!tpu.dma_semaphore, #tpu.memory_space<semaphore_mem>>)
        %dma_wait3A_47 = arith.constant 0 : i32
        %dma_wait3A_48 = tpu.memref_slice %arg4[%add3A_11, %dma_wait3A_47] : memref<81920x128xf32, #tpu.memory_space<hbm>> -> memref<512x64xf32, #tpu.memory_space<hbm>>
        %dma_wait3A_49 = arith.constant 0 : i32
        %dma_wait3A_50 = tpu.memref_slice %arg4[%add3A_11, %dma_wait3A_49] : memref<81920x128xf32, #tpu.memory_space<hbm>> -> memref<512x64xf32, #tpu.memory_space<hbm>>
        tpu.wait_dma2 semaphore(%run_scoped3A : memref<!tpu.dma_semaphore, #tpu.memory_space<semaphore_mem>>) src(%arg7 : memref<512x64xf32, #tpu.memory_space<vmem>>) dst(%dma_wait3A_50 : memref<512x64xf32, #tpu.memory_space<hbm>>)
        tpu.yield
      }) : () -> ()
      "tpu.region"() ({
        %run_scoped3A = tpu.sem_alloc : memref<!tpu.dma_semaphore, #tpu.memory_space<semaphore_mem>>
        %dma_start3A_43 = arith.constant 64 : i32
        %dma_start3A_44 = tpu.memref_slice %arg4[%add3A_11, %dma_start3A_43] : memref<81920x128xf32, #tpu.memory_space<hbm>> -> memref<512x64xf32, #tpu.memory_space<hbm>>
        %dma_start3A_45 = arith.constant 64 : i32
        %dma_start3A_46 = tpu.memref_slice %arg4[%add3A_11, %dma_start3A_45] : memref<81920x128xf32, #tpu.memory_space<hbm>> -> memref<512x64xf32, #tpu.memory_space<hbm>>
        tpu.enqueue_dma source(%arg8 : memref<512x64xf32, #tpu.memory_space<vmem>>) target(%dma_start3A_46 : memref<512x64xf32, #tpu.memory_space<hbm>>) target_semaphore(%run_scoped3A : memref<!tpu.dma_semaphore, #tpu.memory_space<semaphore_mem>>)
        %dma_wait3A_47 = arith.constant 64 : i32
        %dma_wait3A_48 = tpu.memref_slice %arg4[%add3A_11, %dma_wait3A_47] : memref<81920x128xf32, #tpu.memory_space<hbm>> -> memref<512x64xf32, #tpu.memory_space<hbm>>
        %dma_wait3A_49 = arith.constant 64 : i32
        %dma_wait3A_50 = tpu.memref_slice %arg4[%add3A_11, %dma_wait3A_49] : memref<81920x128xf32, #tpu.memory_space<hbm>> -> memref<512x64xf32, #tpu.memory_space<hbm>>
        tpu.wait_dma2 semaphore(%run_scoped3A : memref<!tpu.dma_semaphore, #tpu.memory_space<semaphore_mem>>) src(%arg8 : memref<512x64xf32, #tpu.memory_space<vmem>>) dst(%dma_wait3A_50 : memref<512x64xf32, #tpu.memory_space<hbm>>)
        tpu.yield
      }) : () -> ()
    }
    %scan3A_7 = arith.constant 5 : i32
    return
  }
}

#map = affine_map<(d0, d1) -> (0)>
#map1 = affine_map<(d0, d1) -> (0, 0)>
module attributes {stable_mosaic.version = 14 : i64} {
  func.func @_sc_gather_body(%arg0: i32, %arg1: i32, %arg2: memref<163840xi32, #tpu.memory_space<hbm>>, %arg3: memref<1007616x64xf32, #tpu.memory_space<hbm>>, %arg4: memref<81920x128xf32, #tpu.memory_space<hbm>>, %arg5: memref<512xi32, #tpu.memory_space<vmem>>, %arg6: memref<512xi32, #tpu.memory_space<vmem>>, %arg7: memref<512x64xf32, #tpu.memory_space<vmem>>, %arg8: memref<512x64xf32, #tpu.memory_space<vmem>>, %arg9: memref<!tpu.dma_semaphore, #tpu.memory_space<semaphore_mem>>) attributes {dimension_semantics = [#tpu.dimension_semantics<core_parallel>, #tpu.dimension_semantics<subcore_parallel>], iteration_bounds = array<i64: 2, 16>, scalar_prefetch = 0 : i64, scratch_operands = 5 : i64, tpu.core_type = #tpu.core_type<sc_vector_subcore>, window_params = [{transform_indices = #map}, {transform_indices = #map1}, {transform_indices = #map1}]} {
    %mul3A = arith.constant 2 : i32
    %mul3A_0 = arith.muli %arg1, %mul3A : i32
    %add3A = arith.addi %mul3A_0, %arg0 : i32
    %mul3A_1 = arith.constant 2560 : i32
    %mul3A_2 = arith.muli %add3A, %mul3A_1 : i32
    %scan3A = arith.constant 0 : i32
    %scan3A_3 = arith.constant 0 : i32
    %scan3A_4 = arith.constant 5 : i32
    %scan3A_5 = arith.addi %scan3A_3, %scan3A_4 : i32
    %scan3A_6 = arith.constant 1 : i32
    scf.for %scan3A_8 = %scan3A_3 to %scan3A_5 step %scan3A_6  : i32 {
      %mul3A_9 = arith.constant 512 : i32
      %mul3A_10 = arith.muli %scan3A_8, %mul3A_9 : i32
      %add3A_11 = arith.addi %mul3A_2, %mul3A_10 : i32
      %jit3A = arith.constant 2048 : i32
      %div3A = arith.divsi %add3A_11, %jit3A : i32
      %sign3A = arith.constant 0 : i32
      %sign3A_12 = arith.cmpi sgt, %add3A_11, %sign3A : i32
      %sign3A_13 = arith.extui %sign3A_12 : i1 to i32
      %sign3A_14 = arith.constant 0 : i32
      %sign3A_15 = arith.cmpi slt, %add3A_11, %sign3A_14 : i32
      %sign3A_16 = arith.extui %sign3A_15 : i1 to i32
      %sign3A_17 = arith.subi %sign3A_13, %sign3A_16 : i32
      %sign3A_18 = arith.constant 0 : i32
      %sign3A_19 = arith.cmpi sgt, %jit3A, %sign3A_18 : i32
      %sign3A_20 = arith.extui %sign3A_19 : i1 to i32
      %sign3A_21 = arith.constant 0 : i32
      %sign3A_22 = arith.cmpi slt, %jit3A, %sign3A_21 : i32
      %sign3A_23 = arith.extui %sign3A_22 : i1 to i32
      %sign3A_24 = arith.subi %sign3A_20, %sign3A_23 : i32
      %ne3A = arith.cmpi ne, %sign3A_17, %sign3A_24 : i32
      %rem3A = arith.remsi %add3A_11, %jit3A : i32
      %ne3A_25 = arith.constant 0 : i32
      %ne3A_26 = arith.cmpi ne, %rem3A, %ne3A_25 : i32
      %and3A = arith.andi %ne3A, %ne3A_26 : i1
      %sub3A = arith.constant 1 : i32
      %sub3A_27 = arith.subi %div3A, %sub3A : i32
      %select_n3A = arith.select %and3A, %sub3A_27, %div3A : i32
      %mul3A_28 = arith.constant 2048 : i32
      %mul3A_29 = arith.muli %select_n3A, %mul3A_28 : i32
      %add3A_30 = arith.addi %add3A_11, %mul3A_29 : i32
      %add3A_31 = arith.constant 2048 : i32
      %add3A_32 = arith.addi %add3A_30, %add3A_31 : i32
      "tpu.region"() ({
        %run_scoped3A = tpu.sem_alloc : memref<!tpu.dma_semaphore, #tpu.memory_space<semaphore_mem>>
        %dma_start3A_43 = tpu.memref_slice %arg2[%add3A_30] : memref<163840xi32, #tpu.memory_space<hbm>> -> memref<512xi32, #tpu.memory_space<hbm>>
        %dma_start3A_44 = tpu.memref_slice %arg2[%add3A_30] : memref<163840xi32, #tpu.memory_space<hbm>> -> memref<512xi32, #tpu.memory_space<hbm>>
        tpu.enqueue_dma source(%dma_start3A_44 : memref<512xi32, #tpu.memory_space<hbm>>) target(%arg5 : memref<512xi32, #tpu.memory_space<vmem>>) target_semaphore(%run_scoped3A : memref<!tpu.dma_semaphore, #tpu.memory_space<semaphore_mem>>)
        %dma_wait3A_45 = tpu.memref_slice %arg2[%add3A_30] : memref<163840xi32, #tpu.memory_space<hbm>> -> memref<512xi32, #tpu.memory_space<hbm>>
        %dma_wait3A_46 = tpu.memref_slice %arg2[%add3A_30] : memref<163840xi32, #tpu.memory_space<hbm>> -> memref<512xi32, #tpu.memory_space<hbm>>
        tpu.wait_dma2 semaphore(%run_scoped3A : memref<!tpu.dma_semaphore, #tpu.memory_space<semaphore_mem>>) src(%dma_wait3A_46 : memref<512xi32, #tpu.memory_space<hbm>>) dst(%arg5 : memref<512xi32, #tpu.memory_space<vmem>>)
        tpu.yield
      }) : () -> ()
      "tpu.region"() ({
        %run_scoped3A = tpu.sem_alloc : memref<!tpu.dma_semaphore, #tpu.memory_space<semaphore_mem>>
        %dma_start3A_43 = tpu.memref_slice %arg2[%add3A_32] : memref<163840xi32, #tpu.memory_space<hbm>> -> memref<512xi32, #tpu.memory_space<hbm>>
        %dma_start3A_44 = tpu.memref_slice %arg2[%add3A_32] : memref<163840xi32, #tpu.memory_space<hbm>> -> memref<512xi32, #tpu.memory_space<hbm>>
        tpu.enqueue_dma source(%dma_start3A_44 : memref<512xi32, #tpu.memory_space<hbm>>) target(%arg6 : memref<512xi32, #tpu.memory_space<vmem>>) target_semaphore(%run_scoped3A : memref<!tpu.dma_semaphore, #tpu.memory_space<semaphore_mem>>)
        %dma_wait3A_45 = tpu.memref_slice %arg2[%add3A_32] : memref<163840xi32, #tpu.memory_space<hbm>> -> memref<512xi32, #tpu.memory_space<hbm>>
        %dma_wait3A_46 = tpu.memref_slice %arg2[%add3A_32] : memref<163840xi32, #tpu.memory_space<hbm>> -> memref<512xi32, #tpu.memory_space<hbm>>
        tpu.wait_dma2 semaphore(%run_scoped3A : memref<!tpu.dma_semaphore, #tpu.memory_space<semaphore_mem>>) src(%dma_wait3A_46 : memref<512xi32, #tpu.memory_space<hbm>>) dst(%arg6 : memref<512xi32, #tpu.memory_space<vmem>>)
        tpu.yield
      }) : () -> ()
      %dma_start3A = arith.constant 0 : i32
      %dma_start3A_33 = arith.constant 0 : i32
      %dma_start3A_34 = tpu.memref_slice %arg3[%dma_start3A, %dma_start3A_33] : memref<1007616x64xf32, #tpu.memory_space<hbm>> -> memref<1007616x64xf32, #tpu.memory_space<hbm>>
      tpu.enqueue_indirect_dma source(%dma_start3A_34 : memref<1007616x64xf32, #tpu.memory_space<hbm>>) target(%arg7 : memref<512x64xf32, #tpu.memory_space<vmem>>) offsets(%arg5 : memref<512xi32, #tpu.memory_space<vmem>>) semaphore(%arg9 : memref<!tpu.dma_semaphore, #tpu.memory_space<semaphore_mem>>)
      %dma_wait3A = arith.constant 0 : i32
      %dma_wait3A_35 = arith.constant 0 : i32
      %dma_wait3A_36 = tpu.memref_slice %arg3[%dma_wait3A, %dma_wait3A_35] : memref<1007616x64xf32, #tpu.memory_space<hbm>> -> memref<1007616x64xf32, #tpu.memory_space<hbm>>
      tpu.wait_indirect_dma semaphore(%arg9 : memref<!tpu.dma_semaphore, #tpu.memory_space<semaphore_mem>>) src(%dma_wait3A_36 : memref<1007616x64xf32, #tpu.memory_space<hbm>>) dst(%arg7 : memref<512x64xf32, #tpu.memory_space<vmem>>)
      %dma_start3A_37 = arith.constant 0 : i32
      %dma_start3A_38 = arith.constant 0 : i32
      %dma_start3A_39 = tpu.memref_slice %arg3[%dma_start3A_37, %dma_start3A_38] : memref<1007616x64xf32, #tpu.memory_space<hbm>> -> memref<1007616x64xf32, #tpu.memory_space<hbm>>
      tpu.enqueue_indirect_dma source(%dma_start3A_39 : memref<1007616x64xf32, #tpu.memory_space<hbm>>) target(%arg8 : memref<512x64xf32, #tpu.memory_space<vmem>>) offsets(%arg6 : memref<512xi32, #tpu.memory_space<vmem>>) semaphore(%arg9 : memref<!tpu.dma_semaphore, #tpu.memory_space<semaphore_mem>>)
      %dma_wait3A_40 = arith.constant 0 : i32
      %dma_wait3A_41 = arith.constant 0 : i32
      %dma_wait3A_42 = tpu.memref_slice %arg3[%dma_wait3A_40, %dma_wait3A_41] : memref<1007616x64xf32, #tpu.memory_space<hbm>> -> memref<1007616x64xf32, #tpu.memory_space<hbm>>
      tpu.wait_indirect_dma semaphore(%arg9 : memref<!tpu.dma_semaphore, #tpu.memory_space<semaphore_mem>>) src(%dma_wait3A_42 : memref<1007616x64xf32, #tpu.memory_space<hbm>>) dst(%arg8 : memref<512x64xf32, #tpu.memory_space<vmem>>)
      "tpu.region"() ({
        %run_scoped3A = tpu.sem_alloc : memref<!tpu.dma_semaphore, #tpu.memory_space<semaphore_mem>>
        %dma_start3A_43 = arith.constant 0 : i32
        %dma_start3A_44 = tpu.memref_slice %arg4[%add3A_11, %dma_start3A_43] : memref<81920x128xf32, #tpu.memory_space<hbm>> -> memref<512x64xf32, #tpu.memory_space<hbm>>
        %dma_start3A_45 = arith.constant 0 : i32
        %dma_start3A_46 = tpu.memref_slice %arg4[%add3A_11, %dma_start3A_45] : memref<81920x128xf32, #tpu.memory_space<hbm>> -> memref<512x64xf32, #tpu.memory_space<hbm>>
        tpu.enqueue_dma source(%arg7 : memref<512x64xf32, #tpu.memory_space<vmem>>) target(%dma_start3A_46 : memref<512x64xf32, #tpu.memory_space<hbm>>) target_semaphore(%run_scoped3A : memref<!tpu.dma_semaphore, #tpu.memory_space<semaphore_mem>>)
        %dma_wait3A_47 = arith.constant 0 : i32
        %dma_wait3A_48 = tpu.memref_slice %arg4[%add3A_11, %dma_wait3A_47] : memref<81920x128xf32, #tpu.memory_space<hbm>> -> memref<512x64xf32, #tpu.memory_space<hbm>>
        %dma_wait3A_49 = arith.constant 0 : i32
        %dma_wait3A_50 = tpu.memref_slice %arg4[%add3A_11, %dma_wait3A_49] : memref<81920x128xf32, #tpu.memory_space<hbm>> -> memref<512x64xf32, #tpu.memory_space<hbm>>
        tpu.wait_dma2 semaphore(%run_scoped3A : memref<!tpu.dma_semaphore, #tpu.memory_space<semaphore_mem>>) src(%arg7 : memref<512x64xf32, #tpu.memory_space<vmem>>) dst(%dma_wait3A_50 : memref<512x64xf32, #tpu.memory_space<hbm>>)
        tpu.yield
      }) : () -> ()
      "tpu.region"() ({
        %run_scoped3A = tpu.sem_alloc : memref<!tpu.dma_semaphore, #tpu.memory_space<semaphore_mem>>
        %dma_start3A_43 = arith.constant 64 : i32
        %dma_start3A_44 = tpu.memref_slice %arg4[%add3A_11, %dma_start3A_43] : memref<81920x128xf32, #tpu.memory_space<hbm>> -> memref<512x64xf32, #tpu.memory_space<hbm>>
        %dma_start3A_45 = arith.constant 64 : i32
        %dma_start3A_46 = tpu.memref_slice %arg4[%add3A_11, %dma_start3A_45] : memref<81920x128xf32, #tpu.memory_space<hbm>> -> memref<512x64xf32, #tpu.memory_space<hbm>>
        tpu.enqueue_dma source(%arg8 : memref<512x64xf32, #tpu.memory_space<vmem>>) target(%dma_start3A_46 : memref<512x64xf32, #tpu.memory_space<hbm>>) target_semaphore(%run_scoped3A : memref<!tpu.dma_semaphore, #tpu.memory_space<semaphore_mem>>)
        %dma_wait3A_47 = arith.constant 64 : i32
        %dma_wait3A_48 = tpu.memref_slice %arg4[%add3A_11, %dma_wait3A_47] : memref<81920x128xf32, #tpu.memory_space<hbm>> -> memref<512x64xf32, #tpu.memory_space<hbm>>
        %dma_wait3A_49 = arith.constant 64 : i32
        %dma_wait3A_50 = tpu.memref_slice %arg4[%add3A_11, %dma_wait3A_49] : memref<81920x128xf32, #tpu.memory_space<hbm>> -> memref<512x64xf32, #tpu.memory_space<hbm>>
        tpu.wait_dma2 semaphore(%run_scoped3A : memref<!tpu.dma_semaphore, #tpu.memory_space<semaphore_mem>>) src(%arg8 : memref<512x64xf32, #tpu.memory_space<vmem>>) dst(%dma_wait3A_50 : memref<512x64xf32, #tpu.memory_space<hbm>>)
        tpu.yield
      }) : () -> ()
    }
    %scan3A_7 = arith.constant 5 : i32
    return
  }
}

#map = affine_map<(d0, d1) -> (0)>
#map1 = affine_map<(d0, d1) -> (0, 0)>
module attributes {stable_mosaic.version = 14 : i64} {
  func.func @_sc_gather_body(%arg0: i32, %arg1: i32, %arg2: memref<163840xi32, #tpu.memory_space<hbm>>, %arg3: memref<1007616x64xf32, #tpu.memory_space<hbm>>, %arg4: memref<81920x128xf32, #tpu.memory_space<hbm>>, %arg5: memref<512xi32, #tpu.memory_space<vmem>>, %arg6: memref<512xi32, #tpu.memory_space<vmem>>, %arg7: memref<512x64xf32, #tpu.memory_space<vmem>>, %arg8: memref<512x64xf32, #tpu.memory_space<vmem>>, %arg9: memref<!tpu.dma_semaphore, #tpu.memory_space<semaphore_mem>>) attributes {dimension_semantics = [#tpu.dimension_semantics<core_parallel>, #tpu.dimension_semantics<subcore_parallel>], iteration_bounds = array<i64: 2, 16>, scalar_prefetch = 0 : i64, scratch_operands = 5 : i64, tpu.core_type = #tpu.core_type<sc_vector_subcore>, window_params = [{transform_indices = #map}, {transform_indices = #map1}, {transform_indices = #map1}]} {
    %mul3A = arith.constant 2 : i32
    %mul3A_0 = arith.muli %arg1, %mul3A : i32
    %add3A = arith.addi %mul3A_0, %arg0 : i32
    %mul3A_1 = arith.constant 2560 : i32
    %mul3A_2 = arith.muli %add3A, %mul3A_1 : i32
    %scan3A = arith.constant 0 : i32
    %scan3A_3 = arith.constant 0 : i32
    %scan3A_4 = arith.constant 5 : i32
    %scan3A_5 = arith.addi %scan3A_3, %scan3A_4 : i32
    %scan3A_6 = arith.constant 1 : i32
    scf.for %scan3A_8 = %scan3A_3 to %scan3A_5 step %scan3A_6  : i32 {
      %mul3A_9 = arith.constant 512 : i32
      %mul3A_10 = arith.muli %scan3A_8, %mul3A_9 : i32
      %add3A_11 = arith.addi %mul3A_2, %mul3A_10 : i32
      %jit3A = arith.constant 2048 : i32
      %div3A = arith.divsi %add3A_11, %jit3A : i32
      %sign3A = arith.constant 0 : i32
      %sign3A_12 = arith.cmpi sgt, %add3A_11, %sign3A : i32
      %sign3A_13 = arith.extui %sign3A_12 : i1 to i32
      %sign3A_14 = arith.constant 0 : i32
      %sign3A_15 = arith.cmpi slt, %add3A_11, %sign3A_14 : i32
      %sign3A_16 = arith.extui %sign3A_15 : i1 to i32
      %sign3A_17 = arith.subi %sign3A_13, %sign3A_16 : i32
      %sign3A_18 = arith.constant 0 : i32
      %sign3A_19 = arith.cmpi sgt, %jit3A, %sign3A_18 : i32
      %sign3A_20 = arith.extui %sign3A_19 : i1 to i32
      %sign3A_21 = arith.constant 0 : i32
      %sign3A_22 = arith.cmpi slt, %jit3A, %sign3A_21 : i32
      %sign3A_23 = arith.extui %sign3A_22 : i1 to i32
      %sign3A_24 = arith.subi %sign3A_20, %sign3A_23 : i32
      %ne3A = arith.cmpi ne, %sign3A_17, %sign3A_24 : i32
      %rem3A = arith.remsi %add3A_11, %jit3A : i32
      %ne3A_25 = arith.constant 0 : i32
      %ne3A_26 = arith.cmpi ne, %rem3A, %ne3A_25 : i32
      %and3A = arith.andi %ne3A, %ne3A_26 : i1
      %sub3A = arith.constant 1 : i32
      %sub3A_27 = arith.subi %div3A, %sub3A : i32
      %select_n3A = arith.select %and3A, %sub3A_27, %div3A : i32
      %mul3A_28 = arith.constant 2048 : i32
      %mul3A_29 = arith.muli %select_n3A, %mul3A_28 : i32
      %add3A_30 = arith.addi %add3A_11, %mul3A_29 : i32
      %add3A_31 = arith.constant 2048 : i32
      %add3A_32 = arith.addi %add3A_30, %add3A_31 : i32
      "tpu.region"() ({
        %run_scoped3A = tpu.sem_alloc : memref<!tpu.dma_semaphore, #tpu.memory_space<semaphore_mem>>
        %dma_start3A_43 = tpu.memref_slice %arg2[%add3A_30] : memref<163840xi32, #tpu.memory_space<hbm>> -> memref<512xi32, #tpu.memory_space<hbm>>
        %dma_start3A_44 = tpu.memref_slice %arg2[%add3A_30] : memref<163840xi32, #tpu.memory_space<hbm>> -> memref<512xi32, #tpu.memory_space<hbm>>
        tpu.enqueue_dma source(%dma_start3A_44 : memref<512xi32, #tpu.memory_space<hbm>>) target(%arg5 : memref<512xi32, #tpu.memory_space<vmem>>) target_semaphore(%run_scoped3A : memref<!tpu.dma_semaphore, #tpu.memory_space<semaphore_mem>>)
        %dma_wait3A_45 = tpu.memref_slice %arg2[%add3A_30] : memref<163840xi32, #tpu.memory_space<hbm>> -> memref<512xi32, #tpu.memory_space<hbm>>
        %dma_wait3A_46 = tpu.memref_slice %arg2[%add3A_30] : memref<163840xi32, #tpu.memory_space<hbm>> -> memref<512xi32, #tpu.memory_space<hbm>>
        tpu.wait_dma2 semaphore(%run_scoped3A : memref<!tpu.dma_semaphore, #tpu.memory_space<semaphore_mem>>) src(%dma_wait3A_46 : memref<512xi32, #tpu.memory_space<hbm>>) dst(%arg5 : memref<512xi32, #tpu.memory_space<vmem>>)
        tpu.yield
      }) : () -> ()
      "tpu.region"() ({
        %run_scoped3A = tpu.sem_alloc : memref<!tpu.dma_semaphore, #tpu.memory_space<semaphore_mem>>
        %dma_start3A_43 = tpu.memref_slice %arg2[%add3A_32] : memref<163840xi32, #tpu.memory_space<hbm>> -> memref<512xi32, #tpu.memory_space<hbm>>
        %dma_start3A_44 = tpu.memref_slice %arg2[%add3A_32] : memref<163840xi32, #tpu.memory_space<hbm>> -> memref<512xi32, #tpu.memory_space<hbm>>
        tpu.enqueue_dma source(%dma_start3A_44 : memref<512xi32, #tpu.memory_space<hbm>>) target(%arg6 : memref<512xi32, #tpu.memory_space<vmem>>) target_semaphore(%run_scoped3A : memref<!tpu.dma_semaphore, #tpu.memory_space<semaphore_mem>>)
        %dma_wait3A_45 = tpu.memref_slice %arg2[%add3A_32] : memref<163840xi32, #tpu.memory_space<hbm>> -> memref<512xi32, #tpu.memory_space<hbm>>
        %dma_wait3A_46 = tpu.memref_slice %arg2[%add3A_32] : memref<163840xi32, #tpu.memory_space<hbm>> -> memref<512xi32, #tpu.memory_space<hbm>>
        tpu.wait_dma2 semaphore(%run_scoped3A : memref<!tpu.dma_semaphore, #tpu.memory_space<semaphore_mem>>) src(%dma_wait3A_46 : memref<512xi32, #tpu.memory_space<hbm>>) dst(%arg6 : memref<512xi32, #tpu.memory_space<vmem>>)
        tpu.yield
      }) : () -> ()
      %dma_start3A = arith.constant 0 : i32
      %dma_start3A_33 = arith.constant 0 : i32
      %dma_start3A_34 = tpu.memref_slice %arg3[%dma_start3A, %dma_start3A_33] : memref<1007616x64xf32, #tpu.memory_space<hbm>> -> memref<1007616x64xf32, #tpu.memory_space<hbm>>
      tpu.enqueue_indirect_dma source(%dma_start3A_34 : memref<1007616x64xf32, #tpu.memory_space<hbm>>) target(%arg7 : memref<512x64xf32, #tpu.memory_space<vmem>>) offsets(%arg5 : memref<512xi32, #tpu.memory_space<vmem>>) semaphore(%arg9 : memref<!tpu.dma_semaphore, #tpu.memory_space<semaphore_mem>>)
      %dma_wait3A = arith.constant 0 : i32
      %dma_wait3A_35 = arith.constant 0 : i32
      %dma_wait3A_36 = tpu.memref_slice %arg3[%dma_wait3A, %dma_wait3A_35] : memref<1007616x64xf32, #tpu.memory_space<hbm>> -> memref<1007616x64xf32, #tpu.memory_space<hbm>>
      tpu.wait_indirect_dma semaphore(%arg9 : memref<!tpu.dma_semaphore, #tpu.memory_space<semaphore_mem>>) src(%dma_wait3A_36 : memref<1007616x64xf32, #tpu.memory_space<hbm>>) dst(%arg7 : memref<512x64xf32, #tpu.memory_space<vmem>>)
      %dma_start3A_37 = arith.constant 0 : i32
      %dma_start3A_38 = arith.constant 0 : i32
      %dma_start3A_39 = tpu.memref_slice %arg3[%dma_start3A_37, %dma_start3A_38] : memref<1007616x64xf32, #tpu.memory_space<hbm>> -> memref<1007616x64xf32, #tpu.memory_space<hbm>>
      tpu.enqueue_indirect_dma source(%dma_start3A_39 : memref<1007616x64xf32, #tpu.memory_space<hbm>>) target(%arg8 : memref<512x64xf32, #tpu.memory_space<vmem>>) offsets(%arg6 : memref<512xi32, #tpu.memory_space<vmem>>) semaphore(%arg9 : memref<!tpu.dma_semaphore, #tpu.memory_space<semaphore_mem>>)
      %dma_wait3A_40 = arith.constant 0 : i32
      %dma_wait3A_41 = arith.constant 0 : i32
      %dma_wait3A_42 = tpu.memref_slice %arg3[%dma_wait3A_40, %dma_wait3A_41] : memref<1007616x64xf32, #tpu.memory_space<hbm>> -> memref<1007616x64xf32, #tpu.memory_space<hbm>>
      tpu.wait_indirect_dma semaphore(%arg9 : memref<!tpu.dma_semaphore, #tpu.memory_space<semaphore_mem>>) src(%dma_wait3A_42 : memref<1007616x64xf32, #tpu.memory_space<hbm>>) dst(%arg8 : memref<512x64xf32, #tpu.memory_space<vmem>>)
      "tpu.region"() ({
        %run_scoped3A = tpu.sem_alloc : memref<!tpu.dma_semaphore, #tpu.memory_space<semaphore_mem>>
        %dma_start3A_43 = arith.constant 0 : i32
        %dma_start3A_44 = tpu.memref_slice %arg4[%add3A_11, %dma_start3A_43] : memref<81920x128xf32, #tpu.memory_space<hbm>> -> memref<512x64xf32, #tpu.memory_space<hbm>>
        %dma_start3A_45 = arith.constant 0 : i32
        %dma_start3A_46 = tpu.memref_slice %arg4[%add3A_11, %dma_start3A_45] : memref<81920x128xf32, #tpu.memory_space<hbm>> -> memref<512x64xf32, #tpu.memory_space<hbm>>
        tpu.enqueue_dma source(%arg7 : memref<512x64xf32, #tpu.memory_space<vmem>>) target(%dma_start3A_46 : memref<512x64xf32, #tpu.memory_space<hbm>>) target_semaphore(%run_scoped3A : memref<!tpu.dma_semaphore, #tpu.memory_space<semaphore_mem>>)
        %dma_wait3A_47 = arith.constant 0 : i32
        %dma_wait3A_48 = tpu.memref_slice %arg4[%add3A_11, %dma_wait3A_47] : memref<81920x128xf32, #tpu.memory_space<hbm>> -> memref<512x64xf32, #tpu.memory_space<hbm>>
        %dma_wait3A_49 = arith.constant 0 : i32
        %dma_wait3A_50 = tpu.memref_slice %arg4[%add3A_11, %dma_wait3A_49] : memref<81920x128xf32, #tpu.memory_space<hbm>> -> memref<512x64xf32, #tpu.memory_space<hbm>>
        tpu.wait_dma2 semaphore(%run_scoped3A : memref<!tpu.dma_semaphore, #tpu.memory_space<semaphore_mem>>) src(%arg7 : memref<512x64xf32, #tpu.memory_space<vmem>>) dst(%dma_wait3A_50 : memref<512x64xf32, #tpu.memory_space<hbm>>)
        tpu.yield
      }) : () -> ()
      "tpu.region"() ({
        %run_scoped3A = tpu.sem_alloc : memref<!tpu.dma_semaphore, #tpu.memory_space<semaphore_mem>>
        %dma_start3A_43 = arith.constant 64 : i32
        %dma_start3A_44 = tpu.memref_slice %arg4[%add3A_11, %dma_start3A_43] : memref<81920x128xf32, #tpu.memory_space<hbm>> -> memref<512x64xf32, #tpu.memory_space<hbm>>
        %dma_start3A_45 = arith.constant 64 : i32
        %dma_start3A_46 = tpu.memref_slice %arg4[%add3A_11, %dma_start3A_45] : memref<81920x128xf32, #tpu.memory_space<hbm>> -> memref<512x64xf32, #tpu.memory_space<hbm>>
        tpu.enqueue_dma source(%arg8 : memref<512x64xf32, #tpu.memory_space<vmem>>) target(%dma_start3A_46 : memref<512x64xf32, #tpu.memory_space<hbm>>) target_semaphore(%run_scoped3A : memref<!tpu.dma_semaphore, #tpu.memory_space<semaphore_mem>>)
        %dma_wait3A_47 = arith.constant 64 : i32
        %dma_wait3A_48 = tpu.memref_slice %arg4[%add3A_11, %dma_wait3A_47] : memref<81920x128xf32, #tpu.memory_space<hbm>> -> memref<512x64xf32, #tpu.memory_space<hbm>>
        %dma_wait3A_49 = arith.constant 64 : i32
        %dma_wait3A_50 = tpu.memref_slice %arg4[%add3A_11, %dma_wait3A_49] : memref<81920x128xf32, #tpu.memory_space<hbm>> -> memref<512x64xf32, #tpu.memory_space<hbm>>
        tpu.wait_dma2 semaphore(%run_scoped3A : memref<!tpu.dma_semaphore, #tpu.memory_space<semaphore_mem>>) src(%arg8 : memref<512x64xf32, #tpu.memory_space<vmem>>) dst(%dma_wait3A_50 : memref<512x64xf32, #tpu.memory_space<hbm>>)
        tpu.yield
      }) : () -> ()
    }
    %scan3A_7 = arith.constant 5 : i32
    return
  }
}

#map = affine_map<(d0, d1) -> (0)>
#map1 = affine_map<(d0, d1) -> (0, 0)>
module attributes {stable_mosaic.version = 14 : i64} {
  func.func @_sc_gather_body(%arg0: i32, %arg1: i32, %arg2: memref<163840xi32, #tpu.memory_space<hbm>>, %arg3: memref<1007616x64xf32, #tpu.memory_space<hbm>>, %arg4: memref<81920x128xf32, #tpu.memory_space<hbm>>, %arg5: memref<512xi32, #tpu.memory_space<vmem>>, %arg6: memref<512xi32, #tpu.memory_space<vmem>>, %arg7: memref<512x64xf32, #tpu.memory_space<vmem>>, %arg8: memref<512x64xf32, #tpu.memory_space<vmem>>, %arg9: memref<!tpu.dma_semaphore, #tpu.memory_space<semaphore_mem>>) attributes {dimension_semantics = [#tpu.dimension_semantics<core_parallel>, #tpu.dimension_semantics<subcore_parallel>], iteration_bounds = array<i64: 2, 16>, scalar_prefetch = 0 : i64, scratch_operands = 5 : i64, tpu.core_type = #tpu.core_type<sc_vector_subcore>, window_params = [{transform_indices = #map}, {transform_indices = #map1}, {transform_indices = #map1}]} {
    %mul3A = arith.constant 2 : i32
    %mul3A_0 = arith.muli %arg1, %mul3A : i32
    %add3A = arith.addi %mul3A_0, %arg0 : i32
    %mul3A_1 = arith.constant 2560 : i32
    %mul3A_2 = arith.muli %add3A, %mul3A_1 : i32
    %scan3A = arith.constant 0 : i32
    %scan3A_3 = arith.constant 0 : i32
    %scan3A_4 = arith.constant 5 : i32
    %scan3A_5 = arith.addi %scan3A_3, %scan3A_4 : i32
    %scan3A_6 = arith.constant 1 : i32
    scf.for %scan3A_8 = %scan3A_3 to %scan3A_5 step %scan3A_6  : i32 {
      %mul3A_9 = arith.constant 512 : i32
      %mul3A_10 = arith.muli %scan3A_8, %mul3A_9 : i32
      %add3A_11 = arith.addi %mul3A_2, %mul3A_10 : i32
      %jit3A = arith.constant 2048 : i32
      %div3A = arith.divsi %add3A_11, %jit3A : i32
      %sign3A = arith.constant 0 : i32
      %sign3A_12 = arith.cmpi sgt, %add3A_11, %sign3A : i32
      %sign3A_13 = arith.extui %sign3A_12 : i1 to i32
      %sign3A_14 = arith.constant 0 : i32
      %sign3A_15 = arith.cmpi slt, %add3A_11, %sign3A_14 : i32
      %sign3A_16 = arith.extui %sign3A_15 : i1 to i32
      %sign3A_17 = arith.subi %sign3A_13, %sign3A_16 : i32
      %sign3A_18 = arith.constant 0 : i32
      %sign3A_19 = arith.cmpi sgt, %jit3A, %sign3A_18 : i32
      %sign3A_20 = arith.extui %sign3A_19 : i1 to i32
      %sign3A_21 = arith.constant 0 : i32
      %sign3A_22 = arith.cmpi slt, %jit3A, %sign3A_21 : i32
      %sign3A_23 = arith.extui %sign3A_22 : i1 to i32
      %sign3A_24 = arith.subi %sign3A_20, %sign3A_23 : i32
      %ne3A = arith.cmpi ne, %sign3A_17, %sign3A_24 : i32
      %rem3A = arith.remsi %add3A_11, %jit3A : i32
      %ne3A_25 = arith.constant 0 : i32
      %ne3A_26 = arith.cmpi ne, %rem3A, %ne3A_25 : i32
      %and3A = arith.andi %ne3A, %ne3A_26 : i1
      %sub3A = arith.constant 1 : i32
      %sub3A_27 = arith.subi %div3A, %sub3A : i32
      %select_n3A = arith.select %and3A, %sub3A_27, %div3A : i32
      %mul3A_28 = arith.constant 2048 : i32
      %mul3A_29 = arith.muli %select_n3A, %mul3A_28 : i32
      %add3A_30 = arith.addi %add3A_11, %mul3A_29 : i32
      %add3A_31 = arith.constant 2048 : i32
      %add3A_32 = arith.addi %add3A_30, %add3A_31 : i32
      "tpu.region"() ({
        %run_scoped3A = tpu.sem_alloc : memref<!tpu.dma_semaphore, #tpu.memory_space<semaphore_mem>>
        %dma_start3A_43 = tpu.memref_slice %arg2[%add3A_30] : memref<163840xi32, #tpu.memory_space<hbm>> -> memref<512xi32, #tpu.memory_space<hbm>>
        %dma_start3A_44 = tpu.memref_slice %arg2[%add3A_30] : memref<163840xi32, #tpu.memory_space<hbm>> -> memref<512xi32, #tpu.memory_space<hbm>>
        tpu.enqueue_dma source(%dma_start3A_44 : memref<512xi32, #tpu.memory_space<hbm>>) target(%arg5 : memref<512xi32, #tpu.memory_space<vmem>>) target_semaphore(%run_scoped3A : memref<!tpu.dma_semaphore, #tpu.memory_space<semaphore_mem>>)
        %dma_wait3A_45 = tpu.memref_slice %arg2[%add3A_30] : memref<163840xi32, #tpu.memory_space<hbm>> -> memref<512xi32, #tpu.memory_space<hbm>>
        %dma_wait3A_46 = tpu.memref_slice %arg2[%add3A_30] : memref<163840xi32, #tpu.memory_space<hbm>> -> memref<512xi32, #tpu.memory_space<hbm>>
        tpu.wait_dma2 semaphore(%run_scoped3A : memref<!tpu.dma_semaphore, #tpu.memory_space<semaphore_mem>>) src(%dma_wait3A_46 : memref<512xi32, #tpu.memory_space<hbm>>) dst(%arg5 : memref<512xi32, #tpu.memory_space<vmem>>)
        tpu.yield
      }) : () -> ()
      "tpu.region"() ({
        %run_scoped3A = tpu.sem_alloc : memref<!tpu.dma_semaphore, #tpu.memory_space<semaphore_mem>>
        %dma_start3A_43 = tpu.memref_slice %arg2[%add3A_32] : memref<163840xi32, #tpu.memory_space<hbm>> -> memref<512xi32, #tpu.memory_space<hbm>>
        %dma_start3A_44 = tpu.memref_slice %arg2[%add3A_32] : memref<163840xi32, #tpu.memory_space<hbm>> -> memref<512xi32, #tpu.memory_space<hbm>>
        tpu.enqueue_dma source(%dma_start3A_44 : memref<512xi32, #tpu.memory_space<hbm>>) target(%arg6 : memref<512xi32, #tpu.memory_space<vmem>>) target_semaphore(%run_scoped3A : memref<!tpu.dma_semaphore, #tpu.memory_space<semaphore_mem>>)
        %dma_wait3A_45 = tpu.memref_slice %arg2[%add3A_32] : memref<163840xi32, #tpu.memory_space<hbm>> -> memref<512xi32, #tpu.memory_space<hbm>>
        %dma_wait3A_46 = tpu.memref_slice %arg2[%add3A_32] : memref<163840xi32, #tpu.memory_space<hbm>> -> memref<512xi32, #tpu.memory_space<hbm>>
        tpu.wait_dma2 semaphore(%run_scoped3A : memref<!tpu.dma_semaphore, #tpu.memory_space<semaphore_mem>>) src(%dma_wait3A_46 : memref<512xi32, #tpu.memory_space<hbm>>) dst(%arg6 : memref<512xi32, #tpu.memory_space<vmem>>)
        tpu.yield
      }) : () -> ()
      %dma_start3A = arith.constant 0 : i32
      %dma_start3A_33 = arith.constant 0 : i32
      %dma_start3A_34 = tpu.memref_slice %arg3[%dma_start3A, %dma_start3A_33] : memref<1007616x64xf32, #tpu.memory_space<hbm>> -> memref<1007616x64xf32, #tpu.memory_space<hbm>>
      tpu.enqueue_indirect_dma source(%dma_start3A_34 : memref<1007616x64xf32, #tpu.memory_space<hbm>>) target(%arg7 : memref<512x64xf32, #tpu.memory_space<vmem>>) offsets(%arg5 : memref<512xi32, #tpu.memory_space<vmem>>) semaphore(%arg9 : memref<!tpu.dma_semaphore, #tpu.memory_space<semaphore_mem>>)
      %dma_wait3A = arith.constant 0 : i32
      %dma_wait3A_35 = arith.constant 0 : i32
      %dma_wait3A_36 = tpu.memref_slice %arg3[%dma_wait3A, %dma_wait3A_35] : memref<1007616x64xf32, #tpu.memory_space<hbm>> -> memref<1007616x64xf32, #tpu.memory_space<hbm>>
      tpu.wait_indirect_dma semaphore(%arg9 : memref<!tpu.dma_semaphore, #tpu.memory_space<semaphore_mem>>) src(%dma_wait3A_36 : memref<1007616x64xf32, #tpu.memory_space<hbm>>) dst(%arg7 : memref<512x64xf32, #tpu.memory_space<vmem>>)
      %dma_start3A_37 = arith.constant 0 : i32
      %dma_start3A_38 = arith.constant 0 : i32
      %dma_start3A_39 = tpu.memref_slice %arg3[%dma_start3A_37, %dma_start3A_38] : memref<1007616x64xf32, #tpu.memory_space<hbm>> -> memref<1007616x64xf32, #tpu.memory_space<hbm>>
      tpu.enqueue_indirect_dma source(%dma_start3A_39 : memref<1007616x64xf32, #tpu.memory_space<hbm>>) target(%arg8 : memref<512x64xf32, #tpu.memory_space<vmem>>) offsets(%arg6 : memref<512xi32, #tpu.memory_space<vmem>>) semaphore(%arg9 : memref<!tpu.dma_semaphore, #tpu.memory_space<semaphore_mem>>)
      %dma_wait3A_40 = arith.constant 0 : i32
      %dma_wait3A_41 = arith.constant 0 : i32
      %dma_wait3A_42 = tpu.memref_slice %arg3[%dma_wait3A_40, %dma_wait3A_41] : memref<1007616x64xf32, #tpu.memory_space<hbm>> -> memref<1007616x64xf32, #tpu.memory_space<hbm>>
      tpu.wait_indirect_dma semaphore(%arg9 : memref<!tpu.dma_semaphore, #tpu.memory_space<semaphore_mem>>) src(%dma_wait3A_42 : memref<1007616x64xf32, #tpu.memory_space<hbm>>) dst(%arg8 : memref<512x64xf32, #tpu.memory_space<vmem>>)
      "tpu.region"() ({
        %run_scoped3A = tpu.sem_alloc : memref<!tpu.dma_semaphore, #tpu.memory_space<semaphore_mem>>
        %dma_start3A_43 = arith.constant 0 : i32
        %dma_start3A_44 = tpu.memref_slice %arg4[%add3A_11, %dma_start3A_43] : memref<81920x128xf32, #tpu.memory_space<hbm>> -> memref<512x64xf32, #tpu.memory_space<hbm>>
        %dma_start3A_45 = arith.constant 0 : i32
        %dma_start3A_46 = tpu.memref_slice %arg4[%add3A_11, %dma_start3A_45] : memref<81920x128xf32, #tpu.memory_space<hbm>> -> memref<512x64xf32, #tpu.memory_space<hbm>>
        tpu.enqueue_dma source(%arg7 : memref<512x64xf32, #tpu.memory_space<vmem>>) target(%dma_start3A_46 : memref<512x64xf32, #tpu.memory_space<hbm>>) target_semaphore(%run_scoped3A : memref<!tpu.dma_semaphore, #tpu.memory_space<semaphore_mem>>)
        %dma_wait3A_47 = arith.constant 0 : i32
        %dma_wait3A_48 = tpu.memref_slice %arg4[%add3A_11, %dma_wait3A_47] : memref<81920x128xf32, #tpu.memory_space<hbm>> -> memref<512x64xf32, #tpu.memory_space<hbm>>
        %dma_wait3A_49 = arith.constant 0 : i32
        %dma_wait3A_50 = tpu.memref_slice %arg4[%add3A_11, %dma_wait3A_49] : memref<81920x128xf32, #tpu.memory_space<hbm>> -> memref<512x64xf32, #tpu.memory_space<hbm>>
        tpu.wait_dma2 semaphore(%run_scoped3A : memref<!tpu.dma_semaphore, #tpu.memory_space<semaphore_mem>>) src(%arg7 : memref<512x64xf32, #tpu.memory_space<vmem>>) dst(%dma_wait3A_50 : memref<512x64xf32, #tpu.memory_space<hbm>>)
        tpu.yield
      }) : () -> ()
      "tpu.region"() ({
        %run_scoped3A = tpu.sem_alloc : memref<!tpu.dma_semaphore, #tpu.memory_space<semaphore_mem>>
        %dma_start3A_43 = arith.constant 64 : i32
        %dma_start3A_44 = tpu.memref_slice %arg4[%add3A_11, %dma_start3A_43] : memref<81920x128xf32, #tpu.memory_space<hbm>> -> memref<512x64xf32, #tpu.memory_space<hbm>>
        %dma_start3A_45 = arith.constant 64 : i32
        %dma_start3A_46 = tpu.memref_slice %arg4[%add3A_11, %dma_start3A_45] : memref<81920x128xf32, #tpu.memory_space<hbm>> -> memref<512x64xf32, #tpu.memory_space<hbm>>
        tpu.enqueue_dma source(%arg8 : memref<512x64xf32, #tpu.memory_space<vmem>>) target(%dma_start3A_46 : memref<512x64xf32, #tpu.memory_space<hbm>>) target_semaphore(%run_scoped3A : memref<!tpu.dma_semaphore, #tpu.memory_space<semaphore_mem>>)
        %dma_wait3A_47 = arith.constant 64 : i32
        %dma_wait3A_48 = tpu.memref_slice %arg4[%add3A_11, %dma_wait3A_47] : memref<81920x128xf32, #tpu.memory_space<hbm>> -> memref<512x64xf32, #tpu.memory_space<hbm>>
        %dma_wait3A_49 = arith.constant 64 : i32
        %dma_wait3A_50 = tpu.memref_slice %arg4[%add3A_11, %dma_wait3A_49] : memref<81920x128xf32, #tpu.memory_space<hbm>> -> memref<512x64xf32, #tpu.memory_space<hbm>>
        tpu.wait_dma2 semaphore(%run_scoped3A : memref<!tpu.dma_semaphore, #tpu.memory_space<semaphore_mem>>) src(%arg8 : memref<512x64xf32, #tpu.memory_space<vmem>>) dst(%dma_wait3A_50 : memref<512x64xf32, #tpu.memory_space<hbm>>)
        tpu.yield
      }) : () -> ()
    }
    %scan3A_7 = arith.constant 5 : i32
    return
  }
}

#map = affine_map<(d0, d1) -> (0)>
#map1 = affine_map<(d0, d1) -> (0, 0)>
module attributes {stable_mosaic.version = 14 : i64} {
  func.func @_sc_gather_body(%arg0: i32, %arg1: i32, %arg2: memref<163840xi32, #tpu.memory_space<hbm>>, %arg3: memref<1007616x64xf32, #tpu.memory_space<hbm>>, %arg4: memref<81920x128xf32, #tpu.memory_space<hbm>>, %arg5: memref<512xi32, #tpu.memory_space<vmem>>, %arg6: memref<512xi32, #tpu.memory_space<vmem>>, %arg7: memref<512x64xf32, #tpu.memory_space<vmem>>, %arg8: memref<512x64xf32, #tpu.memory_space<vmem>>, %arg9: memref<!tpu.dma_semaphore, #tpu.memory_space<semaphore_mem>>) attributes {dimension_semantics = [#tpu.dimension_semantics<core_parallel>, #tpu.dimension_semantics<subcore_parallel>], iteration_bounds = array<i64: 2, 16>, scalar_prefetch = 0 : i64, scratch_operands = 5 : i64, tpu.core_type = #tpu.core_type<sc_vector_subcore>, window_params = [{transform_indices = #map}, {transform_indices = #map1}, {transform_indices = #map1}]} {
    %mul3A = arith.constant 2 : i32
    %mul3A_0 = arith.muli %arg1, %mul3A : i32
    %add3A = arith.addi %mul3A_0, %arg0 : i32
    %mul3A_1 = arith.constant 2560 : i32
    %mul3A_2 = arith.muli %add3A, %mul3A_1 : i32
    %scan3A = arith.constant 0 : i32
    %scan3A_3 = arith.constant 0 : i32
    %scan3A_4 = arith.constant 5 : i32
    %scan3A_5 = arith.addi %scan3A_3, %scan3A_4 : i32
    %scan3A_6 = arith.constant 1 : i32
    scf.for %scan3A_8 = %scan3A_3 to %scan3A_5 step %scan3A_6  : i32 {
      %mul3A_9 = arith.constant 512 : i32
      %mul3A_10 = arith.muli %scan3A_8, %mul3A_9 : i32
      %add3A_11 = arith.addi %mul3A_2, %mul3A_10 : i32
      %jit3A = arith.constant 2048 : i32
      %div3A = arith.divsi %add3A_11, %jit3A : i32
      %sign3A = arith.constant 0 : i32
      %sign3A_12 = arith.cmpi sgt, %add3A_11, %sign3A : i32
      %sign3A_13 = arith.extui %sign3A_12 : i1 to i32
      %sign3A_14 = arith.constant 0 : i32
      %sign3A_15 = arith.cmpi slt, %add3A_11, %sign3A_14 : i32
      %sign3A_16 = arith.extui %sign3A_15 : i1 to i32
      %sign3A_17 = arith.subi %sign3A_13, %sign3A_16 : i32
      %sign3A_18 = arith.constant 0 : i32
      %sign3A_19 = arith.cmpi sgt, %jit3A, %sign3A_18 : i32
      %sign3A_20 = arith.extui %sign3A_19 : i1 to i32
      %sign3A_21 = arith.constant 0 : i32
      %sign3A_22 = arith.cmpi slt, %jit3A, %sign3A_21 : i32
      %sign3A_23 = arith.extui %sign3A_22 : i1 to i32
      %sign3A_24 = arith.subi %sign3A_20, %sign3A_23 : i32
      %ne3A = arith.cmpi ne, %sign3A_17, %sign3A_24 : i32
      %rem3A = arith.remsi %add3A_11, %jit3A : i32
      %ne3A_25 = arith.constant 0 : i32
      %ne3A_26 = arith.cmpi ne, %rem3A, %ne3A_25 : i32
      %and3A = arith.andi %ne3A, %ne3A_26 : i1
      %sub3A = arith.constant 1 : i32
      %sub3A_27 = arith.subi %div3A, %sub3A : i32
      %select_n3A = arith.select %and3A, %sub3A_27, %div3A : i32
      %mul3A_28 = arith.constant 2048 : i32
      %mul3A_29 = arith.muli %select_n3A, %mul3A_28 : i32
      %add3A_30 = arith.addi %add3A_11, %mul3A_29 : i32
      %add3A_31 = arith.constant 2048 : i32
      %add3A_32 = arith.addi %add3A_30, %add3A_31 : i32
      "tpu.region"() ({
        %run_scoped3A = tpu.sem_alloc : memref<!tpu.dma_semaphore, #tpu.memory_space<semaphore_mem>>
        %dma_start3A_43 = tpu.memref_slice %arg2[%add3A_30] : memref<163840xi32, #tpu.memory_space<hbm>> -> memref<512xi32, #tpu.memory_space<hbm>>
        %dma_start3A_44 = tpu.memref_slice %arg2[%add3A_30] : memref<163840xi32, #tpu.memory_space<hbm>> -> memref<512xi32, #tpu.memory_space<hbm>>
        tpu.enqueue_dma source(%dma_start3A_44 : memref<512xi32, #tpu.memory_space<hbm>>) target(%arg5 : memref<512xi32, #tpu.memory_space<vmem>>) target_semaphore(%run_scoped3A : memref<!tpu.dma_semaphore, #tpu.memory_space<semaphore_mem>>)
        %dma_wait3A_45 = tpu.memref_slice %arg2[%add3A_30] : memref<163840xi32, #tpu.memory_space<hbm>> -> memref<512xi32, #tpu.memory_space<hbm>>
        %dma_wait3A_46 = tpu.memref_slice %arg2[%add3A_30] : memref<163840xi32, #tpu.memory_space<hbm>> -> memref<512xi32, #tpu.memory_space<hbm>>
        tpu.wait_dma2 semaphore(%run_scoped3A : memref<!tpu.dma_semaphore, #tpu.memory_space<semaphore_mem>>) src(%dma_wait3A_46 : memref<512xi32, #tpu.memory_space<hbm>>) dst(%arg5 : memref<512xi32, #tpu.memory_space<vmem>>)
        tpu.yield
      }) : () -> ()
      "tpu.region"() ({
        %run_scoped3A = tpu.sem_alloc : memref<!tpu.dma_semaphore, #tpu.memory_space<semaphore_mem>>
        %dma_start3A_43 = tpu.memref_slice %arg2[%add3A_32] : memref<163840xi32, #tpu.memory_space<hbm>> -> memref<512xi32, #tpu.memory_space<hbm>>
        %dma_start3A_44 = tpu.memref_slice %arg2[%add3A_32] : memref<163840xi32, #tpu.memory_space<hbm>> -> memref<512xi32, #tpu.memory_space<hbm>>
        tpu.enqueue_dma source(%dma_start3A_44 : memref<512xi32, #tpu.memory_space<hbm>>) target(%arg6 : memref<512xi32, #tpu.memory_space<vmem>>) target_semaphore(%run_scoped3A : memref<!tpu.dma_semaphore, #tpu.memory_space<semaphore_mem>>)
        %dma_wait3A_45 = tpu.memref_slice %arg2[%add3A_32] : memref<163840xi32, #tpu.memory_space<hbm>> -> memref<512xi32, #tpu.memory_space<hbm>>
        %dma_wait3A_46 = tpu.memref_slice %arg2[%add3A_32] : memref<163840xi32, #tpu.memory_space<hbm>> -> memref<512xi32, #tpu.memory_space<hbm>>
        tpu.wait_dma2 semaphore(%run_scoped3A : memref<!tpu.dma_semaphore, #tpu.memory_space<semaphore_mem>>) src(%dma_wait3A_46 : memref<512xi32, #tpu.memory_space<hbm>>) dst(%arg6 : memref<512xi32, #tpu.memory_space<vmem>>)
        tpu.yield
      }) : () -> ()
      %dma_start3A = arith.constant 0 : i32
      %dma_start3A_33 = arith.constant 0 : i32
      %dma_start3A_34 = tpu.memref_slice %arg3[%dma_start3A, %dma_start3A_33] : memref<1007616x64xf32, #tpu.memory_space<hbm>> -> memref<1007616x64xf32, #tpu.memory_space<hbm>>
      tpu.enqueue_indirect_dma source(%dma_start3A_34 : memref<1007616x64xf32, #tpu.memory_space<hbm>>) target(%arg7 : memref<512x64xf32, #tpu.memory_space<vmem>>) offsets(%arg5 : memref<512xi32, #tpu.memory_space<vmem>>) semaphore(%arg9 : memref<!tpu.dma_semaphore, #tpu.memory_space<semaphore_mem>>)
      %dma_wait3A = arith.constant 0 : i32
      %dma_wait3A_35 = arith.constant 0 : i32
      %dma_wait3A_36 = tpu.memref_slice %arg3[%dma_wait3A, %dma_wait3A_35] : memref<1007616x64xf32, #tpu.memory_space<hbm>> -> memref<1007616x64xf32, #tpu.memory_space<hbm>>
      tpu.wait_indirect_dma semaphore(%arg9 : memref<!tpu.dma_semaphore, #tpu.memory_space<semaphore_mem>>) src(%dma_wait3A_36 : memref<1007616x64xf32, #tpu.memory_space<hbm>>) dst(%arg7 : memref<512x64xf32, #tpu.memory_space<vmem>>)
      %dma_start3A_37 = arith.constant 0 : i32
      %dma_start3A_38 = arith.constant 0 : i32
      %dma_start3A_39 = tpu.memref_slice %arg3[%dma_start3A_37, %dma_start3A_38] : memref<1007616x64xf32, #tpu.memory_space<hbm>> -> memref<1007616x64xf32, #tpu.memory_space<hbm>>
      tpu.enqueue_indirect_dma source(%dma_start3A_39 : memref<1007616x64xf32, #tpu.memory_space<hbm>>) target(%arg8 : memref<512x64xf32, #tpu.memory_space<vmem>>) offsets(%arg6 : memref<512xi32, #tpu.memory_space<vmem>>) semaphore(%arg9 : memref<!tpu.dma_semaphore, #tpu.memory_space<semaphore_mem>>)
      %dma_wait3A_40 = arith.constant 0 : i32
      %dma_wait3A_41 = arith.constant 0 : i32
      %dma_wait3A_42 = tpu.memref_slice %arg3[%dma_wait3A_40, %dma_wait3A_41] : memref<1007616x64xf32, #tpu.memory_space<hbm>> -> memref<1007616x64xf32, #tpu.memory_space<hbm>>
      tpu.wait_indirect_dma semaphore(%arg9 : memref<!tpu.dma_semaphore, #tpu.memory_space<semaphore_mem>>) src(%dma_wait3A_42 : memref<1007616x64xf32, #tpu.memory_space<hbm>>) dst(%arg8 : memref<512x64xf32, #tpu.memory_space<vmem>>)
      "tpu.region"() ({
        %run_scoped3A = tpu.sem_alloc : memref<!tpu.dma_semaphore, #tpu.memory_space<semaphore_mem>>
        %dma_start3A_43 = arith.constant 0 : i32
        %dma_start3A_44 = tpu.memref_slice %arg4[%add3A_11, %dma_start3A_43] : memref<81920x128xf32, #tpu.memory_space<hbm>> -> memref<512x64xf32, #tpu.memory_space<hbm>>
        %dma_start3A_45 = arith.constant 0 : i32
        %dma_start3A_46 = tpu.memref_slice %arg4[%add3A_11, %dma_start3A_45] : memref<81920x128xf32, #tpu.memory_space<hbm>> -> memref<512x64xf32, #tpu.memory_space<hbm>>
        tpu.enqueue_dma source(%arg7 : memref<512x64xf32, #tpu.memory_space<vmem>>) target(%dma_start3A_46 : memref<512x64xf32, #tpu.memory_space<hbm>>) target_semaphore(%run_scoped3A : memref<!tpu.dma_semaphore, #tpu.memory_space<semaphore_mem>>)
        %dma_wait3A_47 = arith.constant 0 : i32
        %dma_wait3A_48 = tpu.memref_slice %arg4[%add3A_11, %dma_wait3A_47] : memref<81920x128xf32, #tpu.memory_space<hbm>> -> memref<512x64xf32, #tpu.memory_space<hbm>>
        %dma_wait3A_49 = arith.constant 0 : i32
        %dma_wait3A_50 = tpu.memref_slice %arg4[%add3A_11, %dma_wait3A_49] : memref<81920x128xf32, #tpu.memory_space<hbm>> -> memref<512x64xf32, #tpu.memory_space<hbm>>
        tpu.wait_dma2 semaphore(%run_scoped3A : memref<!tpu.dma_semaphore, #tpu.memory_space<semaphore_mem>>) src(%arg7 : memref<512x64xf32, #tpu.memory_space<vmem>>) dst(%dma_wait3A_50 : memref<512x64xf32, #tpu.memory_space<hbm>>)
        tpu.yield
      }) : () -> ()
      "tpu.region"() ({
        %run_scoped3A = tpu.sem_alloc : memref<!tpu.dma_semaphore, #tpu.memory_space<semaphore_mem>>
        %dma_start3A_43 = arith.constant 64 : i32
        %dma_start3A_44 = tpu.memref_slice %arg4[%add3A_11, %dma_start3A_43] : memref<81920x128xf32, #tpu.memory_space<hbm>> -> memref<512x64xf32, #tpu.memory_space<hbm>>
        %dma_start3A_45 = arith.constant 64 : i32
        %dma_start3A_46 = tpu.memref_slice %arg4[%add3A_11, %dma_start3A_45] : memref<81920x128xf32, #tpu.memory_space<hbm>> -> memref<512x64xf32, #tpu.memory_space<hbm>>
        tpu.enqueue_dma source(%arg8 : memref<512x64xf32, #tpu.memory_space<vmem>>) target(%dma_start3A_46 : memref<512x64xf32, #tpu.memory_space<hbm>>) target_semaphore(%run_scoped3A : memref<!tpu.dma_semaphore, #tpu.memory_space<semaphore_mem>>)
        %dma_wait3A_47 = arith.constant 64 : i32
        %dma_wait3A_48 = tpu.memref_slice %arg4[%add3A_11, %dma_wait3A_47] : memref<81920x128xf32, #tpu.memory_space<hbm>> -> memref<512x64xf32, #tpu.memory_space<hbm>>
        %dma_wait3A_49 = arith.constant 64 : i32
        %dma_wait3A_50 = tpu.memref_slice %arg4[%add3A_11, %dma_wait3A_49] : memref<81920x128xf32, #tpu.memory_space<hbm>> -> memref<512x64xf32, #tpu.memory_space<hbm>>
        tpu.wait_dma2 semaphore(%run_scoped3A : memref<!tpu.dma_semaphore, #tpu.memory_space<semaphore_mem>>) src(%arg8 : memref<512x64xf32, #tpu.memory_space<vmem>>) dst(%dma_wait3A_50 : memref<512x64xf32, #tpu.memory_space<hbm>>)
        tpu.yield
      }) : () -> ()
    }
    %scan3A_7 = arith.constant 5 : i32
    return
  }
}

module attributes {stable_mosaic.version = 14 : i64} {
  func.func @_proj_body(%arg0: i32, %arg1: memref<64x4096xf32, #tpu.memory_space<vmem>>, %arg2: memref<64x4096xf32, #tpu.memory_space<vmem>>, %arg3: memref<64x64xf32, #tpu.memory_space<vmem>>, %arg4: memref<32x16xf32, #tpu.memory_space<vmem>>, %arg5: memref<64x16xf32, #tpu.memory_space<vmem>>, %arg6: memref<1x64xf32, #tpu.memory_space<vmem>>, %arg7: memref<4096x128xf32, #tpu.memory_space<vmem>>, %arg8: memref<32x64xf32, #tpu.memory_space<vmem>>) attributes {dimension_semantics = [#tpu.dimension_semantics<parallel>], iteration_bounds = array<i64: 123>, scalar_prefetch = 0 : i64, scratch_operands = 0 : i64, tpu.core_type = #tpu.core_type<tc>, window_params = [{transform_indices = @transform_0, window_bounds = array<i64: 64, 4096>}, {transform_indices = @transform_1, window_bounds = array<i64: 64, 4096>}, {pipeline_mode = #tpu.pipeline_mode<synchronous>, transform_indices = @transform_2, window_bounds = array<i64: 64, 64>}, {pipeline_mode = #tpu.pipeline_mode<synchronous>, transform_indices = @transform_3, window_bounds = array<i64: 32, 16>}, {pipeline_mode = #tpu.pipeline_mode<synchronous>, transform_indices = @transform_4, window_bounds = array<i64: 64, 16>}, {pipeline_mode = #tpu.pipeline_mode<synchronous>, transform_indices = @transform_5, window_bounds = array<i64: 1, 64>}, {transform_indices = @transform_6, window_bounds = array<i64: 4096, 128>}, {pipeline_mode = #tpu.pipeline_mode<synchronous>, transform_indices = @transform_7, window_bounds = array<i64: 32, 64>}]} {
    %get3A = arith.constant 0 : index
    %get3A_0 = arith.constant 0 : index
    %get3A_1 = vector.load %arg1[%get3A, %get3A_0] : memref<64x4096xf32, #tpu.memory_space<vmem>>, vector<64x4096xf32>
    %get3A_2 = arith.constant 0 : index
    %get3A_3 = arith.constant 0 : index
    %get3A_4 = vector.load %arg3[%get3A_2, %get3A_3] : memref<64x64xf32, #tpu.memory_space<vmem>>, vector<64x64xf32>
    %dot_general3A = arith.constant dense<0.000000e+00> : vector<4096x64xf32>
    %dot_general3A_5 = tpu.matmul %get3A_1, %get3A_4, %dot_general3A {dimension_numbers = #tpu.dot_dimension_numbers<[0], [1], [1], [0], [0, 1, 1, 0], [], []>, transpose_lhs_hint = false} : vector<64x4096xf32>, vector<64x64xf32>, vector<4096x64xf32> -> vector<4096x64xf32>
    %get3A_6 = arith.constant 0 : index
    %get3A_7 = arith.constant 0 : index
    %get3A_8 = vector.load %arg2[%get3A_6, %get3A_7] : memref<64x4096xf32, #tpu.memory_space<vmem>>, vector<64x4096xf32>
    %get3A_9 = arith.constant 0 : index
    %get3A_10 = arith.constant 0 : index
    %get3A_11 = vector.load %arg3[%get3A_9, %get3A_10] : memref<64x64xf32, #tpu.memory_space<vmem>>, vector<64x64xf32>
    %dot_general3A_12 = arith.constant dense<0.000000e+00> : vector<4096x64xf32>
    %dot_general3A_13 = tpu.matmul %get3A_8, %get3A_11, %dot_general3A_12 {dimension_numbers = #tpu.dot_dimension_numbers<[0], [1], [1], [0], [0, 1, 1, 0], [], []>, transpose_lhs_hint = false} : vector<64x4096xf32>, vector<64x64xf32>, vector<4096x64xf32> -> vector<4096x64xf32>
    %concatenate3A = tpu.concatenate %dot_general3A_5, %dot_general3A_13 in 1 : vector<4096x64xf32>, vector<4096x64xf32> -> vector<4096x128xf32>
    %swap3A = arith.constant 0 : index
    %swap3A_14 = arith.constant 0 : index
    %swap3A_15 = vector.load %arg7[%swap3A, %swap3A_14] : memref<4096x128xf32, #tpu.memory_space<vmem>>, vector<4096x128xf32>
    tpu.vector_store %arg7[%swap3A, %swap3A_14], %concatenate3A {strides = array<i32>} : memref<4096x128xf32, #tpu.memory_space<vmem>>, vector<4096x128xf32>,
    %get3A_16 = arith.constant 0 : index
    %get3A_17 = arith.constant 0 : index
    %get3A_18 = vector.load %arg4[%get3A_16, %get3A_17] : memref<32x16xf32, #tpu.memory_space<vmem>>, vector<32x16xf32>
    %get3A_19 = arith.constant 0 : index
    %get3A_20 = arith.constant 0 : index
    %get3A_21 = vector.load %arg5[%get3A_19, %get3A_20] : memref<64x16xf32, #tpu.memory_space<vmem>>, vector<64x16xf32>
    %dot_general3A_22 = arith.constant dense<0.000000e+00> : vector<32x64xf32>
    %dot_general3A_23 = tpu.matmul %get3A_18, %get3A_21, %dot_general3A_22 {dimension_numbers = #tpu.dot_dimension_numbers<[1], [1], [0], [0], [0, 0, 1, 0], [], []>, transpose_lhs_hint = false} : vector<32x16xf32>, vector<64x16xf32>, vector<32x64xf32> -> vector<32x64xf32>
    %get3A_24 = arith.constant 0 : index
    %get3A_25 = arith.constant 0 : index
    %get3A_26 = vector.load %arg6[%get3A_24, %get3A_25] : memref<1x64xf32, #tpu.memory_space<vmem>>, vector<1x64xf32>
    %add3A = vector.broadcast %get3A_26 : vector<1x64xf32> to vector<32x64xf32>
    %add3A_27 = arith.addf %dot_general3A_23, %add3A : vector<32x64xf32>
    %swap3A_28 = arith.constant 0 : index
    %swap3A_29 = arith.constant 0 : index
    %swap3A_30 = vector.load %arg8[%swap3A_28, %swap3A_29] : memref<32x64xf32, #tpu.memory_space<vmem>>, vector<32x64xf32>
    tpu.vector_store %arg8[%swap3A_28, %swap3A_29], %add3A_27 {strides = array<i32>} : memref<32x64xf32, #tpu.memory_space<vmem>>, vector<32x64xf32>,
    return
  }
  func.func @transform_0(%arg0: i32) -> (i32, i32) {
    %c0_i32 = arith.constant 0 : i32
    %c0_i32_0 = arith.constant 0 : i32
    return %c0_i32, %arg0 : i32, i32
  }
  func.func @transform_1(%arg0: i32) -> (i32, i32) {
    %add3A = arith.constant 123 : i32
    %add3A_0 = arith.addi %arg0, %add3A : i32
    %min3A = arith.constant 244 : i32
    %min3A_1 = arith.minsi %add3A_0, %min3A : i32
    %c0_i32 = arith.constant 0 : i32
    %c0_i32_2 = arith.constant 0 : i32
    return %c0_i32, %min3A_1 : i32, i32
  }
  func.func @transform_2(%arg0: i32) -> (i32, i32) {
    %c0_i32 = arith.constant 0 : i32
    %c0_i32_0 = arith.constant 0 : i32
    %c0_i32_1 = arith.constant 0 : i32
    return %c0_i32, %c0_i32_0 : i32, i32
  }
  func.func @transform_3(%arg0: i32) -> (i32, i32) {
    %c0_i32 = arith.constant 0 : i32
    %c0_i32_0 = arith.constant 0 : i32
    %c0_i32_1 = arith.constant 0 : i32
    return %c0_i32, %c0_i32_0 : i32, i32
  }
  func.func @transform_4(%arg0: i32) -> (i32, i32) {
    %c0_i32 = arith.constant 0 : i32
    %c0_i32_0 = arith.constant 0 : i32
    %c0_i32_1 = arith.constant 0 : i32
    return %c0_i32, %c0_i32_0 : i32, i32
  }
  func.func @transform_5(%arg0: i32) -> (i32, i32) {
    %c0_i32 = arith.constant 0 : i32
    %c0_i32_0 = arith.constant 0 : i32
    %c0_i32_1 = arith.constant 0 : i32
    return %c0_i32, %c0_i32_0 : i32, i32
  }
  func.func @transform_6(%arg0: i32) -> (i32, i32) {
    %c0_i32 = arith.constant 0 : i32
    %c0_i32_0 = arith.constant 0 : i32
    return %arg0, %c0_i32 : i32, i32
  }
  func.func @transform_7(%arg0: i32) -> (i32, i32) {
    %c0_i32 = arith.constant 0 : i32
    %c0_i32_0 = arith.constant 0 : i32
    %c0_i32_1 = arith.constant 0 : i32
    return %c0_i32, %c0_i32_0 : i32, i32
  }
}

module attributes {stable_mosaic.version = 14 : i64} {
  func.func @_fin_body(%arg0: i32, %arg1: memref<2048x128xf32, #tpu.memory_space<vmem>>, %arg2: memref<1x1x4096xi32, #tpu.memory_space<vmem>>, %arg3: memref<32x64xf32, #tpu.memory_space<vmem>>, %arg4: memref<1x64x4096xf32, #tpu.memory_space<vmem>>) attributes {dimension_semantics = [#tpu.dimension_semantics<parallel>], iteration_bounds = array<i64: 40>, scalar_prefetch = 0 : i64, scratch_operands = 0 : i64, tpu.core_type = #tpu.core_type<tc>, window_params = [{transform_indices = @transform_0, window_bounds = array<i64: 2048, 128>}, {transform_indices = @transform_1, window_bounds = array<i64: 1, 1, 4096>}, {pipeline_mode = #tpu.pipeline_mode<synchronous>, transform_indices = @transform_2, window_bounds = array<i64: 32, 64>}, {transform_indices = @transform_3, window_bounds = array<i64: 1, 64, 4096>}]} {
    %get3A = arith.constant 0 : index
    %get3A_0 = arith.constant 0 : index
    %get3A_1 = vector.load %arg1[%get3A, %get3A_0] : memref<2048x128xf32, #tpu.memory_space<vmem>>, vector<2048x128xf32>
    %get3A_2 = arith.constant 0 : index
    %get3A_3 = arith.constant 0 : index
    %get3A_4 = arith.constant 0 : index
    %get3A_5 = vector.load %arg2[%get3A_2, %get3A_3, %get3A_4] : memref<1x1x4096xi32, #tpu.memory_space<vmem>>, vector<1x1x4096xi32>
    %get3A_6 = vector.shape_cast %get3A_5 : vector<1x1x4096xi32> to vector<4096xi32>
    %iota3A = tpu.iota {dimensions = array<i32: 0>} : vector<32x2048xi32>
    %slice3A = vector.extract_strided_slice %get3A_6 {offsets = [0], sizes = [2048], strides = [1]} : vector<4096xi32> to vector<2048xi32>
    %broadcast_in_dim3A = vector.shape_cast %slice3A : vector<2048xi32> to vector<1x2048xi32>
    %eq3A = vector.broadcast %broadcast_in_dim3A : vector<1x2048xi32> to vector<32x2048xi32>
    %eq3A_7 = arith.cmpi eq, %eq3A, %iota3A : vector<32x2048xi32>
    %convert_element_type3A = arith.extui %eq3A_7 : vector<32x2048xi1> to vector<32x2048xi32>
    %convert_element_type3A_8 = arith.sitofp %convert_element_type3A : vector<32x2048xi32> to vector<32x2048xf32>
    %slice3A_9 = vector.extract_strided_slice %get3A_6 {offsets = [2048], sizes = [2048], strides = [1]} : vector<4096xi32> to vector<2048xi32>
    %broadcast_in_dim3A_10 = vector.shape_cast %slice3A_9 : vector<2048xi32> to vector<1x2048xi32>
    %eq3A_11 = vector.broadcast %broadcast_in_dim3A_10 : vector<1x2048xi32> to vector<32x2048xi32>
    %eq3A_12 = arith.cmpi eq, %eq3A_11, %iota3A : vector<32x2048xi32>
    %convert_element_type3A_13 = arith.extui %eq3A_12 : vector<32x2048xi1> to vector<32x2048xi32>
    %convert_element_type3A_14 = arith.sitofp %convert_element_type3A_13 : vector<32x2048xi32> to vector<32x2048xf32>
    %get3A_15 = arith.constant 0 : index
    %get3A_16 = arith.constant 0 : index
    %get3A_17 = vector.load %arg3[%get3A_15, %get3A_16] : memref<32x64xf32, #tpu.memory_space<vmem>>, vector<32x64xf32>
    %dot_general3A = arith.constant dense<0.000000e+00> : vector<64x2048xf32>
    %dot_general3A_18 = tpu.matmul %get3A_17, %convert_element_type3A_8, %dot_general3A {dimension_numbers = #tpu.dot_dimension_numbers<[0], [0], [1], [1], [0, 1, 1, 1], [], []>, transpose_lhs_hint = false} : vector<32x64xf32>, vector<32x2048xf32>, vector<64x2048xf32> -> vector<64x2048xf32>
    %dot_general3A_19 = arith.constant dense<0.000000e+00> : vector<64x2048xf32>
    %dot_general3A_20 = tpu.matmul %get3A_17, %convert_element_type3A_14, %dot_general3A_19 {dimension_numbers = #tpu.dot_dimension_numbers<[0], [0], [1], [1], [0, 1, 1, 1], [], []>, transpose_lhs_hint = false} : vector<32x64xf32>, vector<32x2048xf32>, vector<64x2048xf32> -> vector<64x2048xf32>
    %slice3A_21 = vector.extract_strided_slice %get3A_1 {offsets = [0, 0], sizes = [2048, 64], strides = [1, 1]} : vector<2048x128xf32> to vector<2048x64xf32>
    %transpose3A = tpu.transpose %slice3A_21, [1, 0] : vector<2048x64xf32> -> vector<64x2048xf32>
    %add3A = arith.addf %transpose3A, %dot_general3A_18 : vector<64x2048xf32>
    %tanh3A = math.tanh %add3A : vector<64x2048xf32>
    %slice3A_22 = vector.extract_strided_slice %get3A_1 {offsets = [0, 64], sizes = [2048, 64], strides = [1, 1]} : vector<2048x128xf32> to vector<2048x64xf32>
    %transpose3A_23 = tpu.transpose %slice3A_22, [1, 0] : vector<2048x64xf32> -> vector<64x2048xf32>
    %add3A_24 = arith.addf %transpose3A_23, %dot_general3A_20 : vector<64x2048xf32>
    %tanh3A_25 = math.tanh %add3A_24 : vector<64x2048xf32>
    %concatenate3A = tpu.concatenate %tanh3A, %tanh3A_25 in 1 : vector<64x2048xf32>, vector<64x2048xf32> -> vector<64x4096xf32>
    %swap3A = arith.constant 0 : index
    %swap3A_26 = arith.constant 0 : index
    %swap3A_27 = arith.constant 0 : index
    %swap3A_28 = vector.load %arg4[%swap3A, %swap3A_26, %swap3A_27] : memref<1x64x4096xf32, #tpu.memory_space<vmem>>, vector<1x64x4096xf32>
    %swap3A_29 = vector.shape_cast %swap3A_28 : vector<1x64x4096xf32> to vector<64x4096xf32>
    %swap3A_30 = vector.shape_cast %concatenate3A : vector<64x4096xf32> to vector<1x64x4096xf32>
    tpu.vector_store %arg4[%swap3A, %swap3A_26, %swap3A_27], %swap3A_30 {strides = array<i32>} : memref<1x64x4096xf32, #tpu.memory_space<vmem>>, vector<1x64x4096xf32>,
    return
  }
  func.func @transform_0(%arg0: i32) -> (i32, i32) {
    %c0_i32 = arith.constant 0 : i32
    %c0_i32_0 = arith.constant 0 : i32
    return %arg0, %c0_i32 : i32, i32
  }
  func.func @transform_1(%arg0: i32) -> (i32, i32, i32) {
    %add3A = arith.constant 0 : i32
    %add3A_0 = arith.addi %arg0, %add3A : i32
    %c0_i32 = arith.constant 0 : i32
    %c0_i32_1 = arith.constant 0 : i32
    %c0_i32_2 = arith.constant 0 : i32
    return %add3A_0, %c0_i32, %c0_i32_1 : i32, i32, i32
  }
  func.func @transform_2(%arg0: i32) -> (i32, i32) {
    %c0_i32 = arith.constant 0 : i32
    %c0_i32_0 = arith.constant 0 : i32
    %c0_i32_1 = arith.constant 0 : i32
    return %c0_i32, %c0_i32_0 : i32, i32
  }
  func.func @transform_3(%arg0: i32) -> (i32, i32, i32) {
    %add3A = arith.constant 0 : i32
    %add3A_0 = arith.addi %arg0, %add3A : i32
    %c0_i32 = arith.constant 0 : i32
    %c0_i32_1 = arith.constant 0 : i32
    %c0_i32_2 = arith.constant 0 : i32
    return %add3A_0, %c0_i32, %c0_i32_1 : i32, i32, i32
  }
}

module attributes {stable_mosaic.version = 14 : i64} {
  func.func @_fin_body_acc(%arg0: i32, %arg1: memref<1x8x128xf32, #tpu.memory_space<vmem>>, %arg2: memref<2048x128xf32, #tpu.memory_space<vmem>>, %arg3: memref<1x1x4096xi32, #tpu.memory_space<vmem>>, %arg4: memref<32x64xf32, #tpu.memory_space<vmem>>, %arg5: memref<1x64x4096xf32, #tpu.memory_space<vmem>>) attributes {dimension_semantics = [#tpu.dimension_semantics<parallel>], iteration_bounds = array<i64: 40>, scalar_prefetch = 0 : i64, scratch_operands = 0 : i64, tpu.core_type = #tpu.core_type<tc>, window_params = [{transform_indices = @transform_0, window_bounds = array<i64: 1, 8, 128>}, {transform_indices = @transform_1, window_bounds = array<i64: 2048, 128>}, {transform_indices = @transform_2, window_bounds = array<i64: 1, 1, 4096>}, {pipeline_mode = #tpu.pipeline_mode<synchronous>, transform_indices = @transform_3, window_bounds = array<i64: 32, 64>}, {transform_indices = @transform_4, window_bounds = array<i64: 1, 64, 4096>}]} {
    %get3A = arith.constant 0 : index
    %get3A_0 = arith.constant 0 : index
    %get3A_1 = vector.load %arg2[%get3A, %get3A_0] : memref<2048x128xf32, #tpu.memory_space<vmem>>, vector<2048x128xf32>
    %get3A_2 = arith.constant 0 : index
    %get3A_3 = arith.constant 0 : index
    %get3A_4 = arith.constant 0 : index
    %get3A_5 = vector.load %arg3[%get3A_2, %get3A_3, %get3A_4] : memref<1x1x4096xi32, #tpu.memory_space<vmem>>, vector<1x1x4096xi32>
    %get3A_6 = vector.shape_cast %get3A_5 : vector<1x1x4096xi32> to vector<4096xi32>
    %iota3A = tpu.iota {dimensions = array<i32: 0>} : vector<32x2048xi32>
    %slice3A = vector.extract_strided_slice %get3A_6 {offsets = [0], sizes = [2048], strides = [1]} : vector<4096xi32> to vector<2048xi32>
    %broadcast_in_dim3A = vector.shape_cast %slice3A : vector<2048xi32> to vector<1x2048xi32>
    %eq3A = vector.broadcast %broadcast_in_dim3A : vector<1x2048xi32> to vector<32x2048xi32>
    %eq3A_7 = arith.cmpi eq, %eq3A, %iota3A : vector<32x2048xi32>
    %convert_element_type3A = arith.extui %eq3A_7 : vector<32x2048xi1> to vector<32x2048xi32>
    %convert_element_type3A_8 = arith.sitofp %convert_element_type3A : vector<32x2048xi32> to vector<32x2048xf32>
    %slice3A_9 = vector.extract_strided_slice %get3A_6 {offsets = [2048], sizes = [2048], strides = [1]} : vector<4096xi32> to vector<2048xi32>
    %broadcast_in_dim3A_10 = vector.shape_cast %slice3A_9 : vector<2048xi32> to vector<1x2048xi32>
    %eq3A_11 = vector.broadcast %broadcast_in_dim3A_10 : vector<1x2048xi32> to vector<32x2048xi32>
    %eq3A_12 = arith.cmpi eq, %eq3A_11, %iota3A : vector<32x2048xi32>
    %convert_element_type3A_13 = arith.extui %eq3A_12 : vector<32x2048xi1> to vector<32x2048xi32>
    %convert_element_type3A_14 = arith.sitofp %convert_element_type3A_13 : vector<32x2048xi32> to vector<32x2048xf32>
    %get3A_15 = arith.constant 0 : index
    %get3A_16 = arith.constant 0 : index
    %get3A_17 = vector.load %arg4[%get3A_15, %get3A_16] : memref<32x64xf32, #tpu.memory_space<vmem>>, vector<32x64xf32>
    %dot_general3A = arith.constant dense<0.000000e+00> : vector<64x2048xf32>
    %dot_general3A_18 = tpu.matmul %get3A_17, %convert_element_type3A_8, %dot_general3A {dimension_numbers = #tpu.dot_dimension_numbers<[0], [0], [1], [1], [0, 1, 1, 1], [], []>, transpose_lhs_hint = false} : vector<32x64xf32>, vector<32x2048xf32>, vector<64x2048xf32> -> vector<64x2048xf32>
    %dot_general3A_19 = arith.constant dense<0.000000e+00> : vector<64x2048xf32>
    %dot_general3A_20 = tpu.matmul %get3A_17, %convert_element_type3A_14, %dot_general3A_19 {dimension_numbers = #tpu.dot_dimension_numbers<[0], [0], [1], [1], [0, 1, 1, 1], [], []>, transpose_lhs_hint = false} : vector<32x64xf32>, vector<32x2048xf32>, vector<64x2048xf32> -> vector<64x2048xf32>
    %slice3A_21 = vector.extract_strided_slice %get3A_1 {offsets = [0, 0], sizes = [2048, 64], strides = [1, 1]} : vector<2048x128xf32> to vector<2048x64xf32>
    %transpose3A = tpu.transpose %slice3A_21, [1, 0] : vector<2048x64xf32> -> vector<64x2048xf32>
    %add3A = arith.addf %transpose3A, %dot_general3A_18 : vector<64x2048xf32>
    %tanh3A = math.tanh %add3A : vector<64x2048xf32>
    %slice3A_22 = vector.extract_strided_slice %get3A_1 {offsets = [0, 64], sizes = [2048, 64], strides = [1, 1]} : vector<2048x128xf32> to vector<2048x64xf32>
    %transpose3A_23 = tpu.transpose %slice3A_22, [1, 0] : vector<2048x64xf32> -> vector<64x2048xf32>
    %add3A_24 = arith.addf %transpose3A_23, %dot_general3A_20 : vector<64x2048xf32>
    %tanh3A_25 = math.tanh %add3A_24 : vector<64x2048xf32>
    %concatenate3A = tpu.concatenate %tanh3A, %tanh3A_25 in 1 : vector<64x2048xf32>, vector<64x2048xf32> -> vector<64x4096xf32>
    %swap3A = arith.constant 0 : index
    %swap3A_26 = arith.constant 0 : index
    %swap3A_27 = arith.constant 0 : index
    %swap3A_28 = vector.load %arg5[%swap3A, %swap3A_26, %swap3A_27] : memref<1x64x4096xf32, #tpu.memory_space<vmem>>, vector<1x64x4096xf32>
    %swap3A_29 = vector.shape_cast %swap3A_28 : vector<1x64x4096xf32> to vector<64x4096xf32>
    %swap3A_30 = vector.shape_cast %concatenate3A : vector<64x4096xf32> to vector<1x64x4096xf32>
    tpu.vector_store %arg5[%swap3A, %swap3A_26, %swap3A_27], %swap3A_30 {strides = array<i32>} : memref<1x64x4096xf32, #tpu.memory_space<vmem>>, vector<1x64x4096xf32>,
    return
  }
  func.func @transform_0(%arg0: i32) -> (i32, i32, i32) {
    %c0_i32 = arith.constant 0 : i32
    %c0_i32_0 = arith.constant 0 : i32
    %c0_i32_1 = arith.constant 0 : i32
    %c0_i32_2 = arith.constant 0 : i32
    return %c0_i32, %c0_i32_0, %c0_i32_1 : i32, i32, i32
  }
  func.func @transform_1(%arg0: i32) -> (i32, i32) {
    %c0_i32 = arith.constant 0 : i32
    %c0_i32_0 = arith.constant 0 : i32
    return %arg0, %c0_i32 : i32, i32
  }
  func.func @transform_2(%arg0: i32) -> (i32, i32, i32) {
    %add3A = arith.constant 40 : i32
    %add3A_0 = arith.addi %arg0, %add3A : i32
    %c0_i32 = arith.constant 0 : i32
    %c0_i32_1 = arith.constant 0 : i32
    %c0_i32_2 = arith.constant 0 : i32
    return %add3A_0, %c0_i32, %c0_i32_1 : i32, i32, i32
  }
  func.func @transform_3(%arg0: i32) -> (i32, i32) {
    %c0_i32 = arith.constant 0 : i32
    %c0_i32_0 = arith.constant 0 : i32
    %c0_i32_1 = arith.constant 0 : i32
    return %c0_i32, %c0_i32_0 : i32, i32
  }
  func.func @transform_4(%arg0: i32) -> (i32, i32, i32) {
    %add3A = arith.constant 40 : i32
    %add3A_0 = arith.addi %arg0, %add3A : i32
    %c0_i32 = arith.constant 0 : i32
    %c0_i32_1 = arith.constant 0 : i32
    %c0_i32_2 = arith.constant 0 : i32
    return %add3A_0, %c0_i32, %c0_i32_1 : i32, i32, i32
  }
}

module attributes {stable_mosaic.version = 14 : i64} {
  func.func @_fin_body_acc(%arg0: i32, %arg1: memref<1x8x128xf32, #tpu.memory_space<vmem>>, %arg2: memref<2048x128xf32, #tpu.memory_space<vmem>>, %arg3: memref<1x1x4096xi32, #tpu.memory_space<vmem>>, %arg4: memref<32x64xf32, #tpu.memory_space<vmem>>, %arg5: memref<1x64x4096xf32, #tpu.memory_space<vmem>>) attributes {dimension_semantics = [#tpu.dimension_semantics<parallel>], iteration_bounds = array<i64: 40>, scalar_prefetch = 0 : i64, scratch_operands = 0 : i64, tpu.core_type = #tpu.core_type<tc>, window_params = [{transform_indices = @transform_0, window_bounds = array<i64: 1, 8, 128>}, {transform_indices = @transform_1, window_bounds = array<i64: 2048, 128>}, {transform_indices = @transform_2, window_bounds = array<i64: 1, 1, 4096>}, {pipeline_mode = #tpu.pipeline_mode<synchronous>, transform_indices = @transform_3, window_bounds = array<i64: 32, 64>}, {transform_indices = @transform_4, window_bounds = array<i64: 1, 64, 4096>}]} {
    %get3A = arith.constant 0 : index
    %get3A_0 = arith.constant 0 : index
    %get3A_1 = vector.load %arg2[%get3A, %get3A_0] : memref<2048x128xf32, #tpu.memory_space<vmem>>, vector<2048x128xf32>
    %get3A_2 = arith.constant 0 : index
    %get3A_3 = arith.constant 0 : index
    %get3A_4 = arith.constant 0 : index
    %get3A_5 = vector.load %arg3[%get3A_2, %get3A_3, %get3A_4] : memref<1x1x4096xi32, #tpu.memory_space<vmem>>, vector<1x1x4096xi32>
    %get3A_6 = vector.shape_cast %get3A_5 : vector<1x1x4096xi32> to vector<4096xi32>
    %iota3A = tpu.iota {dimensions = array<i32: 0>} : vector<32x2048xi32>
    %slice3A = vector.extract_strided_slice %get3A_6 {offsets = [0], sizes = [2048], strides = [1]} : vector<4096xi32> to vector<2048xi32>
    %broadcast_in_dim3A = vector.shape_cast %slice3A : vector<2048xi32> to vector<1x2048xi32>
    %eq3A = vector.broadcast %broadcast_in_dim3A : vector<1x2048xi32> to vector<32x2048xi32>
    %eq3A_7 = arith.cmpi eq, %eq3A, %iota3A : vector<32x2048xi32>
    %convert_element_type3A = arith.extui %eq3A_7 : vector<32x2048xi1> to vector<32x2048xi32>
    %convert_element_type3A_8 = arith.sitofp %convert_element_type3A : vector<32x2048xi32> to vector<32x2048xf32>
    %slice3A_9 = vector.extract_strided_slice %get3A_6 {offsets = [2048], sizes = [2048], strides = [1]} : vector<4096xi32> to vector<2048xi32>
    %broadcast_in_dim3A_10 = vector.shape_cast %slice3A_9 : vector<2048xi32> to vector<1x2048xi32>
    %eq3A_11 = vector.broadcast %broadcast_in_dim3A_10 : vector<1x2048xi32> to vector<32x2048xi32>
    %eq3A_12 = arith.cmpi eq, %eq3A_11, %iota3A : vector<32x2048xi32>
    %convert_element_type3A_13 = arith.extui %eq3A_12 : vector<32x2048xi1> to vector<32x2048xi32>
    %convert_element_type3A_14 = arith.sitofp %convert_element_type3A_13 : vector<32x2048xi32> to vector<32x2048xf32>
    %get3A_15 = arith.constant 0 : index
    %get3A_16 = arith.constant 0 : index
    %get3A_17 = vector.load %arg4[%get3A_15, %get3A_16] : memref<32x64xf32, #tpu.memory_space<vmem>>, vector<32x64xf32>
    %dot_general3A = arith.constant dense<0.000000e+00> : vector<64x2048xf32>
    %dot_general3A_18 = tpu.matmul %get3A_17, %convert_element_type3A_8, %dot_general3A {dimension_numbers = #tpu.dot_dimension_numbers<[0], [0], [1], [1], [0, 1, 1, 1], [], []>, transpose_lhs_hint = false} : vector<32x64xf32>, vector<32x2048xf32>, vector<64x2048xf32> -> vector<64x2048xf32>
    %dot_general3A_19 = arith.constant dense<0.000000e+00> : vector<64x2048xf32>
    %dot_general3A_20 = tpu.matmul %get3A_17, %convert_element_type3A_14, %dot_general3A_19 {dimension_numbers = #tpu.dot_dimension_numbers<[0], [0], [1], [1], [0, 1, 1, 1], [], []>, transpose_lhs_hint = false} : vector<32x64xf32>, vector<32x2048xf32>, vector<64x2048xf32> -> vector<64x2048xf32>
    %slice3A_21 = vector.extract_strided_slice %get3A_1 {offsets = [0, 0], sizes = [2048, 64], strides = [1, 1]} : vector<2048x128xf32> to vector<2048x64xf32>
    %transpose3A = tpu.transpose %slice3A_21, [1, 0] : vector<2048x64xf32> -> vector<64x2048xf32>
    %add3A = arith.addf %transpose3A, %dot_general3A_18 : vector<64x2048xf32>
    %tanh3A = math.tanh %add3A : vector<64x2048xf32>
    %slice3A_22 = vector.extract_strided_slice %get3A_1 {offsets = [0, 64], sizes = [2048, 64], strides = [1, 1]} : vector<2048x128xf32> to vector<2048x64xf32>
    %transpose3A_23 = tpu.transpose %slice3A_22, [1, 0] : vector<2048x64xf32> -> vector<64x2048xf32>
    %add3A_24 = arith.addf %transpose3A_23, %dot_general3A_20 : vector<64x2048xf32>
    %tanh3A_25 = math.tanh %add3A_24 : vector<64x2048xf32>
    %concatenate3A = tpu.concatenate %tanh3A, %tanh3A_25 in 1 : vector<64x2048xf32>, vector<64x2048xf32> -> vector<64x4096xf32>
    %swap3A = arith.constant 0 : index
    %swap3A_26 = arith.constant 0 : index
    %swap3A_27 = arith.constant 0 : index
    %swap3A_28 = vector.load %arg5[%swap3A, %swap3A_26, %swap3A_27] : memref<1x64x4096xf32, #tpu.memory_space<vmem>>, vector<1x64x4096xf32>
    %swap3A_29 = vector.shape_cast %swap3A_28 : vector<1x64x4096xf32> to vector<64x4096xf32>
    %swap3A_30 = vector.shape_cast %concatenate3A : vector<64x4096xf32> to vector<1x64x4096xf32>
    tpu.vector_store %arg5[%swap3A, %swap3A_26, %swap3A_27], %swap3A_30 {strides = array<i32>} : memref<1x64x4096xf32, #tpu.memory_space<vmem>>, vector<1x64x4096xf32>,
    return
  }
  func.func @transform_0(%arg0: i32) -> (i32, i32, i32) {
    %c0_i32 = arith.constant 0 : i32
    %c0_i32_0 = arith.constant 0 : i32
    %c0_i32_1 = arith.constant 0 : i32
    %c0_i32_2 = arith.constant 0 : i32
    return %c0_i32, %c0_i32_0, %c0_i32_1 : i32, i32, i32
  }
  func.func @transform_1(%arg0: i32) -> (i32, i32) {
    %c0_i32 = arith.constant 0 : i32
    %c0_i32_0 = arith.constant 0 : i32
    return %arg0, %c0_i32 : i32, i32
  }
  func.func @transform_2(%arg0: i32) -> (i32, i32, i32) {
    %add3A = arith.constant 80 : i32
    %add3A_0 = arith.addi %arg0, %add3A : i32
    %c0_i32 = arith.constant 0 : i32
    %c0_i32_1 = arith.constant 0 : i32
    %c0_i32_2 = arith.constant 0 : i32
    return %add3A_0, %c0_i32, %c0_i32_1 : i32, i32, i32
  }
  func.func @transform_3(%arg0: i32) -> (i32, i32) {
    %c0_i32 = arith.constant 0 : i32
    %c0_i32_0 = arith.constant 0 : i32
    %c0_i32_1 = arith.constant 0 : i32
    return %c0_i32, %c0_i32_0 : i32, i32
  }
  func.func @transform_4(%arg0: i32) -> (i32, i32, i32) {
    %add3A = arith.constant 80 : i32
    %add3A_0 = arith.addi %arg0, %add3A : i32
    %c0_i32 = arith.constant 0 : i32
    %c0_i32_1 = arith.constant 0 : i32
    %c0_i32_2 = arith.constant 0 : i32
    return %add3A_0, %c0_i32, %c0_i32_1 : i32, i32, i32
  }
}

module attributes {stable_mosaic.version = 14 : i64} {
  func.func @_fin_body_acc(%arg0: i32, %arg1: memref<1x8x128xf32, #tpu.memory_space<vmem>>, %arg2: memref<2048x128xf32, #tpu.memory_space<vmem>>, %arg3: memref<1x1x4096xi32, #tpu.memory_space<vmem>>, %arg4: memref<32x64xf32, #tpu.memory_space<vmem>>, %arg5: memref<1x64x4096xf32, #tpu.memory_space<vmem>>) attributes {dimension_semantics = [#tpu.dimension_semantics<parallel>], iteration_bounds = array<i64: 40>, scalar_prefetch = 0 : i64, scratch_operands = 0 : i64, tpu.core_type = #tpu.core_type<tc>, window_params = [{transform_indices = @transform_0, window_bounds = array<i64: 1, 8, 128>}, {transform_indices = @transform_1, window_bounds = array<i64: 2048, 128>}, {transform_indices = @transform_2, window_bounds = array<i64: 1, 1, 4096>}, {pipeline_mode = #tpu.pipeline_mode<synchronous>, transform_indices = @transform_3, window_bounds = array<i64: 32, 64>}, {transform_indices = @transform_4, window_bounds = array<i64: 1, 64, 4096>}]} {
    %get3A = arith.constant 0 : index
    %get3A_0 = arith.constant 0 : index
    %get3A_1 = vector.load %arg2[%get3A, %get3A_0] : memref<2048x128xf32, #tpu.memory_space<vmem>>, vector<2048x128xf32>
    %get3A_2 = arith.constant 0 : index
    %get3A_3 = arith.constant 0 : index
    %get3A_4 = arith.constant 0 : index
    %get3A_5 = vector.load %arg3[%get3A_2, %get3A_3, %get3A_4] : memref<1x1x4096xi32, #tpu.memory_space<vmem>>, vector<1x1x4096xi32>
    %get3A_6 = vector.shape_cast %get3A_5 : vector<1x1x4096xi32> to vector<4096xi32>
    %iota3A = tpu.iota {dimensions = array<i32: 0>} : vector<32x2048xi32>
    %slice3A = vector.extract_strided_slice %get3A_6 {offsets = [0], sizes = [2048], strides = [1]} : vector<4096xi32> to vector<2048xi32>
    %broadcast_in_dim3A = vector.shape_cast %slice3A : vector<2048xi32> to vector<1x2048xi32>
    %eq3A = vector.broadcast %broadcast_in_dim3A : vector<1x2048xi32> to vector<32x2048xi32>
    %eq3A_7 = arith.cmpi eq, %eq3A, %iota3A : vector<32x2048xi32>
    %convert_element_type3A = arith.extui %eq3A_7 : vector<32x2048xi1> to vector<32x2048xi32>
    %convert_element_type3A_8 = arith.sitofp %convert_element_type3A : vector<32x2048xi32> to vector<32x2048xf32>
    %slice3A_9 = vector.extract_strided_slice %get3A_6 {offsets = [2048], sizes = [2048], strides = [1]} : vector<4096xi32> to vector<2048xi32>
    %broadcast_in_dim3A_10 = vector.shape_cast %slice3A_9 : vector<2048xi32> to vector<1x2048xi32>
    %eq3A_11 = vector.broadcast %broadcast_in_dim3A_10 : vector<1x2048xi32> to vector<32x2048xi32>
    %eq3A_12 = arith.cmpi eq, %eq3A_11, %iota3A : vector<32x2048xi32>
    %convert_element_type3A_13 = arith.extui %eq3A_12 : vector<32x2048xi1> to vector<32x2048xi32>
    %convert_element_type3A_14 = arith.sitofp %convert_element_type3A_13 : vector<32x2048xi32> to vector<32x2048xf32>
    %get3A_15 = arith.constant 0 : index
    %get3A_16 = arith.constant 0 : index
    %get3A_17 = vector.load %arg4[%get3A_15, %get3A_16] : memref<32x64xf32, #tpu.memory_space<vmem>>, vector<32x64xf32>
    %dot_general3A = arith.constant dense<0.000000e+00> : vector<64x2048xf32>
    %dot_general3A_18 = tpu.matmul %get3A_17, %convert_element_type3A_8, %dot_general3A {dimension_numbers = #tpu.dot_dimension_numbers<[0], [0], [1], [1], [0, 1, 1, 1], [], []>, transpose_lhs_hint = false} : vector<32x64xf32>, vector<32x2048xf32>, vector<64x2048xf32> -> vector<64x2048xf32>
    %dot_general3A_19 = arith.constant dense<0.000000e+00> : vector<64x2048xf32>
    %dot_general3A_20 = tpu.matmul %get3A_17, %convert_element_type3A_14, %dot_general3A_19 {dimension_numbers = #tpu.dot_dimension_numbers<[0], [0], [1], [1], [0, 1, 1, 1], [], []>, transpose_lhs_hint = false} : vector<32x64xf32>, vector<32x2048xf32>, vector<64x2048xf32> -> vector<64x2048xf32>
    %slice3A_21 = vector.extract_strided_slice %get3A_1 {offsets = [0, 0], sizes = [2048, 64], strides = [1, 1]} : vector<2048x128xf32> to vector<2048x64xf32>
    %transpose3A = tpu.transpose %slice3A_21, [1, 0] : vector<2048x64xf32> -> vector<64x2048xf32>
    %add3A = arith.addf %transpose3A, %dot_general3A_18 : vector<64x2048xf32>
    %tanh3A = math.tanh %add3A : vector<64x2048xf32>
    %slice3A_22 = vector.extract_strided_slice %get3A_1 {offsets = [0, 64], sizes = [2048, 64], strides = [1, 1]} : vector<2048x128xf32> to vector<2048x64xf32>
    %transpose3A_23 = tpu.transpose %slice3A_22, [1, 0] : vector<2048x64xf32> -> vector<64x2048xf32>
    %add3A_24 = arith.addf %transpose3A_23, %dot_general3A_20 : vector<64x2048xf32>
    %tanh3A_25 = math.tanh %add3A_24 : vector<64x2048xf32>
    %concatenate3A = tpu.concatenate %tanh3A, %tanh3A_25 in 1 : vector<64x2048xf32>, vector<64x2048xf32> -> vector<64x4096xf32>
    %swap3A = arith.constant 0 : index
    %swap3A_26 = arith.constant 0 : index
    %swap3A_27 = arith.constant 0 : index
    %swap3A_28 = vector.load %arg5[%swap3A, %swap3A_26, %swap3A_27] : memref<1x64x4096xf32, #tpu.memory_space<vmem>>, vector<1x64x4096xf32>
    %swap3A_29 = vector.shape_cast %swap3A_28 : vector<1x64x4096xf32> to vector<64x4096xf32>
    %swap3A_30 = vector.shape_cast %concatenate3A : vector<64x4096xf32> to vector<1x64x4096xf32>
    tpu.vector_store %arg5[%swap3A, %swap3A_26, %swap3A_27], %swap3A_30 {strides = array<i32>} : memref<1x64x4096xf32, #tpu.memory_space<vmem>>, vector<1x64x4096xf32>,
    return
  }
  func.func @transform_0(%arg0: i32) -> (i32, i32, i32) {
    %c0_i32 = arith.constant 0 : i32
    %c0_i32_0 = arith.constant 0 : i32
    %c0_i32_1 = arith.constant 0 : i32
    %c0_i32_2 = arith.constant 0 : i32
    return %c0_i32, %c0_i32_0, %c0_i32_1 : i32, i32, i32
  }
  func.func @transform_1(%arg0: i32) -> (i32, i32) {
    %c0_i32 = arith.constant 0 : i32
    %c0_i32_0 = arith.constant 0 : i32
    return %arg0, %c0_i32 : i32, i32
  }
  func.func @transform_2(%arg0: i32) -> (i32, i32, i32) {
    %add3A = arith.constant 120 : i32
    %add3A_0 = arith.addi %arg0, %add3A : i32
    %c0_i32 = arith.constant 0 : i32
    %c0_i32_1 = arith.constant 0 : i32
    %c0_i32_2 = arith.constant 0 : i32
    return %add3A_0, %c0_i32, %c0_i32_1 : i32, i32, i32
  }
  func.func @transform_3(%arg0: i32) -> (i32, i32) {
    %c0_i32 = arith.constant 0 : i32
    %c0_i32_0 = arith.constant 0 : i32
    %c0_i32_1 = arith.constant 0 : i32
    return %c0_i32, %c0_i32_0 : i32, i32
  }
  func.func @transform_4(%arg0: i32) -> (i32, i32, i32) {
    %add3A = arith.constant 120 : i32
    %add3A_0 = arith.addi %arg0, %add3A : i32
    %c0_i32 = arith.constant 0 : i32
    %c0_i32_1 = arith.constant 0 : i32
    %c0_i32_2 = arith.constant 0 : i32
    return %add3A_0, %c0_i32, %c0_i32_1 : i32, i32, i32
  }
}

module attributes {stable_mosaic.version = 14 : i64} {
  func.func @_fin_body_acc(%arg0: i32, %arg1: memref<1x8x128xf32, #tpu.memory_space<vmem>>, %arg2: memref<2048x128xf32, #tpu.memory_space<vmem>>, %arg3: memref<1x1x4096xi32, #tpu.memory_space<vmem>>, %arg4: memref<32x64xf32, #tpu.memory_space<vmem>>, %arg5: memref<1x64x4096xf32, #tpu.memory_space<vmem>>) attributes {dimension_semantics = [#tpu.dimension_semantics<parallel>], iteration_bounds = array<i64: 40>, scalar_prefetch = 0 : i64, scratch_operands = 0 : i64, tpu.core_type = #tpu.core_type<tc>, window_params = [{transform_indices = @transform_0, window_bounds = array<i64: 1, 8, 128>}, {transform_indices = @transform_1, window_bounds = array<i64: 2048, 128>}, {transform_indices = @transform_2, window_bounds = array<i64: 1, 1, 4096>}, {pipeline_mode = #tpu.pipeline_mode<synchronous>, transform_indices = @transform_3, window_bounds = array<i64: 32, 64>}, {transform_indices = @transform_4, window_bounds = array<i64: 1, 64, 4096>}]} {
    %get3A = arith.constant 0 : index
    %get3A_0 = arith.constant 0 : index
    %get3A_1 = vector.load %arg2[%get3A, %get3A_0] : memref<2048x128xf32, #tpu.memory_space<vmem>>, vector<2048x128xf32>
    %get3A_2 = arith.constant 0 : index
    %get3A_3 = arith.constant 0 : index
    %get3A_4 = arith.constant 0 : index
    %get3A_5 = vector.load %arg3[%get3A_2, %get3A_3, %get3A_4] : memref<1x1x4096xi32, #tpu.memory_space<vmem>>, vector<1x1x4096xi32>
    %get3A_6 = vector.shape_cast %get3A_5 : vector<1x1x4096xi32> to vector<4096xi32>
    %iota3A = tpu.iota {dimensions = array<i32: 0>} : vector<32x2048xi32>
    %slice3A = vector.extract_strided_slice %get3A_6 {offsets = [0], sizes = [2048], strides = [1]} : vector<4096xi32> to vector<2048xi32>
    %broadcast_in_dim3A = vector.shape_cast %slice3A : vector<2048xi32> to vector<1x2048xi32>
    %eq3A = vector.broadcast %broadcast_in_dim3A : vector<1x2048xi32> to vector<32x2048xi32>
    %eq3A_7 = arith.cmpi eq, %eq3A, %iota3A : vector<32x2048xi32>
    %convert_element_type3A = arith.extui %eq3A_7 : vector<32x2048xi1> to vector<32x2048xi32>
    %convert_element_type3A_8 = arith.sitofp %convert_element_type3A : vector<32x2048xi32> to vector<32x2048xf32>
    %slice3A_9 = vector.extract_strided_slice %get3A_6 {offsets = [2048], sizes = [2048], strides = [1]} : vector<4096xi32> to vector<2048xi32>
    %broadcast_in_dim3A_10 = vector.shape_cast %slice3A_9 : vector<2048xi32> to vector<1x2048xi32>
    %eq3A_11 = vector.broadcast %broadcast_in_dim3A_10 : vector<1x2048xi32> to vector<32x2048xi32>
    %eq3A_12 = arith.cmpi eq, %eq3A_11, %iota3A : vector<32x2048xi32>
    %convert_element_type3A_13 = arith.extui %eq3A_12 : vector<32x2048xi1> to vector<32x2048xi32>
    %convert_element_type3A_14 = arith.sitofp %convert_element_type3A_13 : vector<32x2048xi32> to vector<32x2048xf32>
    %get3A_15 = arith.constant 0 : index
    %get3A_16 = arith.constant 0 : index
    %get3A_17 = vector.load %arg4[%get3A_15, %get3A_16] : memref<32x64xf32, #tpu.memory_space<vmem>>, vector<32x64xf32>
    %dot_general3A = arith.constant dense<0.000000e+00> : vector<64x2048xf32>
    %dot_general3A_18 = tpu.matmul %get3A_17, %convert_element_type3A_8, %dot_general3A {dimension_numbers = #tpu.dot_dimension_numbers<[0], [0], [1], [1], [0, 1, 1, 1], [], []>, transpose_lhs_hint = false} : vector<32x64xf32>, vector<32x2048xf32>, vector<64x2048xf32> -> vector<64x2048xf32>
    %dot_general3A_19 = arith.constant dense<0.000000e+00> : vector<64x2048xf32>
    %dot_general3A_20 = tpu.matmul %get3A_17, %convert_element_type3A_14, %dot_general3A_19 {dimension_numbers = #tpu.dot_dimension_numbers<[0], [0], [1], [1], [0, 1, 1, 1], [], []>, transpose_lhs_hint = false} : vector<32x64xf32>, vector<32x2048xf32>, vector<64x2048xf32> -> vector<64x2048xf32>
    %slice3A_21 = vector.extract_strided_slice %get3A_1 {offsets = [0, 0], sizes = [2048, 64], strides = [1, 1]} : vector<2048x128xf32> to vector<2048x64xf32>
    %transpose3A = tpu.transpose %slice3A_21, [1, 0] : vector<2048x64xf32> -> vector<64x2048xf32>
    %add3A = arith.addf %transpose3A, %dot_general3A_18 : vector<64x2048xf32>
    %tanh3A = math.tanh %add3A : vector<64x2048xf32>
    %slice3A_22 = vector.extract_strided_slice %get3A_1 {offsets = [0, 64], sizes = [2048, 64], strides = [1, 1]} : vector<2048x128xf32> to vector<2048x64xf32>
    %transpose3A_23 = tpu.transpose %slice3A_22, [1, 0] : vector<2048x64xf32> -> vector<64x2048xf32>
    %add3A_24 = arith.addf %transpose3A_23, %dot_general3A_20 : vector<64x2048xf32>
    %tanh3A_25 = math.tanh %add3A_24 : vector<64x2048xf32>
    %concatenate3A = tpu.concatenate %tanh3A, %tanh3A_25 in 1 : vector<64x2048xf32>, vector<64x2048xf32> -> vector<64x4096xf32>
    %swap3A = arith.constant 0 : index
    %swap3A_26 = arith.constant 0 : index
    %swap3A_27 = arith.constant 0 : index
    %swap3A_28 = vector.load %arg5[%swap3A, %swap3A_26, %swap3A_27] : memref<1x64x4096xf32, #tpu.memory_space<vmem>>, vector<1x64x4096xf32>
    %swap3A_29 = vector.shape_cast %swap3A_28 : vector<1x64x4096xf32> to vector<64x4096xf32>
    %swap3A_30 = vector.shape_cast %concatenate3A : vector<64x4096xf32> to vector<1x64x4096xf32>
    tpu.vector_store %arg5[%swap3A, %swap3A_26, %swap3A_27], %swap3A_30 {strides = array<i32>} : memref<1x64x4096xf32, #tpu.memory_space<vmem>>, vector<1x64x4096xf32>,
    return
  }
  func.func @transform_0(%arg0: i32) -> (i32, i32, i32) {
    %c0_i32 = arith.constant 0 : i32
    %c0_i32_0 = arith.constant 0 : i32
    %c0_i32_1 = arith.constant 0 : i32
    %c0_i32_2 = arith.constant 0 : i32
    return %c0_i32, %c0_i32_0, %c0_i32_1 : i32, i32, i32
  }
  func.func @transform_1(%arg0: i32) -> (i32, i32) {
    %c0_i32 = arith.constant 0 : i32
    %c0_i32_0 = arith.constant 0 : i32
    return %arg0, %c0_i32 : i32, i32
  }
  func.func @transform_2(%arg0: i32) -> (i32, i32, i32) {
    %add3A = arith.constant 160 : i32
    %add3A_0 = arith.addi %arg0, %add3A : i32
    %c0_i32 = arith.constant 0 : i32
    %c0_i32_1 = arith.constant 0 : i32
    %c0_i32_2 = arith.constant 0 : i32
    return %add3A_0, %c0_i32, %c0_i32_1 : i32, i32, i32
  }
  func.func @transform_3(%arg0: i32) -> (i32, i32) {
    %c0_i32 = arith.constant 0 : i32
    %c0_i32_0 = arith.constant 0 : i32
    %c0_i32_1 = arith.constant 0 : i32
    return %c0_i32, %c0_i32_0 : i32, i32
  }
  func.func @transform_4(%arg0: i32) -> (i32, i32, i32) {
    %add3A = arith.constant 160 : i32
    %add3A_0 = arith.addi %arg0, %add3A : i32
    %c0_i32 = arith.constant 0 : i32
    %c0_i32_1 = arith.constant 0 : i32
    %c0_i32_2 = arith.constant 0 : i32
    return %add3A_0, %c0_i32, %c0_i32_1 : i32, i32, i32
  }
}

</mosaic_0001>

<sc_bundles>
// kernel: kernel.13.cloned.1.call-start
scs
__scs_entry_jumppad:
0x0: {  	(pc) =	sbr.rel $0x88, $3  }
0x1: {  	(tag) =	ssettag $0x0;
	lr =	simm.s32 $0x1  }
0x2: {  	[smem:$0x3F9B] =	sst lr;
	_ =	strace $0xD0000000  }
0x3: {  	_ = 	snop  }
0x4: {  	_ = 	snop  }
0x5: {  	_ = 	snop  }
0x6: {  	_ = 	snop  }
0x7: {  	_ = 	snop  }
__scs_overlays_trampoline_lowered:
0x8: {  	[smem:$0x3FAA] =	sst s0  }
0x9: {  	[smem:$0x3FAB] =	sst s1  }
0xa: {  	[smem:$0x3FAC] =	sst s2  }
0xb: {  	[smem:$0x3FAD] =	sst s3  }
0xc: {  	[smem:$0x3FAE] =	sst s4  }
0xd: {  	[smem:$0x3FAF] =	sst s5  }
0xe: {  	[smem:$0x3FB0] =	sst s6  }
0xf: {  	[smem:$0x3FB1] =	sst s7  }
0x10: {  	[smem:$0x3FB2] =	sst s8  }
0x11: {  	[smem:$0x3FB3] =	sst s9;
	s0 =	simm.s32 @!p0 $0x0  }
0x12: {  	s1 =	sld [smem:$0x3F99];
	s0 =	simm.s32 @p0 $0x1  }
0x13: {  	[smem:$0x3FB4] =	sst s0;
	s0 =	simm.s32 @!p1 $0x0  }
0x14: {  	s2 =	sld [smem:$0x3F98];
	s0 =	simm.s32 @p1 $0x1  }
0x15: {  	[smem:$0x3FB5] =	sst s0;
	s0 =	simm.s32 @!p2 $0x0  }
0x16: {  	s3 =	sld [smem:$0x3FDB];
	s0 =	simm.s32 @p2 $0x1  }
0x17: {  	s4 =	simm.s32 $0x1BF5;
	[smem:$0x3FB7] =	sst s0  }
0x18: {  	s0 =	sld [smem:$0x3F9A];
	_ =	swait.ge [sflag:s4], $0x0  }
0x19: {  	s7 =	sld [smem:$0x3F9B]  }
0x1a: {  	s8 =	sadd.s32 $0xFFFFE003, lr  }
0x1b: {  	s9 =	sadd.s32 $0xFFFFFEF7, lr;
	s5 =	simm.s32 $0xFFFFFFFF;
	p2 =	slt.u32 s8, $0xFFFFF086  }
0x1c: {  	p1 =	slt.u32 s9, $0xF7A;
	s5 =	simm.s32 @!p2 $0x0  }
0x1d: {  	s5 =	simm.s32 @p1 $0x1;
	p0 =	seq.s32 s7, s2  }
0x1e: {  	s7 =	smul.u32 @!p0 $0xF7A, s2;
	p2 =	seq.s32 @!p0 s5, $0x0  }
0x1f: {  	s9 =	smul.u32 $0xF7A, s1;
	s8 =	simm.s32 @!p0 $0x1BF5;
	p2 =	por !p2, p0  }
0x20: {  	[sflag:s8] =	ssyncset.s32 @!p0 $0xFFFFF086;
	s6 =	sadd.s32 @!p0 s3, s7;
	s7 =	simm.s32 @!p0 $0x108  }
0x21: {  	s3 =	sadd.s32 s3, s9;
	s6 =	sadd.s32 @!p0 $0x88, s6;
	s7 =	simm.s32 @p2 $0x1082  }
0x22: {  	[simem:s7], [sflag:s8] =	dma.local @!p0 [hbm:s6], $0xF7A  }
0x23: {  	s9 =	sor.u32 $0xD0000000, s2;
	s6 =	simm.s32 $0x108;
	_ =	swait.ge @!p0 [sflag:s8], $0x0  }
0x24: {  	s3 =	sadd.s32 $0x88, s3;
	s6 =	simm.s32 @!p1 $0x1082;
	[sflag:s4] =	ssyncset.s32 $0xFFFFF086  }
0x25: {  	[simem:s6], [sflag:s4] =	dma.local [hbm:s3], $0xF7A  }
0x26: {  	[smem:$0x3F9B] =	sst s1;
	(tag) =	ssettag s2;
	_ =	strace s9  }
0x27: {  	s1 =	sld [smem:$0x3FAB]  }
0x28: {  	s2 =	sld [smem:$0x3FAC]  }
0x29: {  	s4 =	sld [smem:$0x3FAE]  }
0x2a: {  	p0 =	seq.s32 s5, $0x0;
	s5 =	sld [smem:$0x3FAF]  }
0x2b: {  	s6 =	sld [smem:$0x3FB0]  }
0x2c: {  	s7 =	sld [smem:$0x3FB1]  }
0x2d: {  	s3 =	simm.s32 $0x108;
	s8 =	sld [smem:$0x3FB2]  }
0x2e: {  	s3 =	simm.s32 @!p0 $0x1082;
	s9 =	sld [smem:$0x3FB3]  }
0x2f: {  	lr =	sadd.s32 s0, s3;
	s0 =	sld [smem:$0x3FAA]  }
0x30: {  	s3 =	sld [smem:$0x3FAD]  }
0x31: {  	[smem:$0x3FB6] =	sst s10  }
0x32: {  	s10 =	sld [smem:$0x3FB4];
	_ =	sdelay $0x3  }
0x33: {  	p0 =	seq.s32 s10, $0x1;
	s10 =	sld [smem:$0x3FB6];
	_ =	sdelay $0x3  }
0x34: {  	[smem:$0x3FB6] =	sst s10  }
0x35: {  	s10 =	sld [smem:$0x3FB5];
	_ =	sdelay $0x3  }
0x36: {  	p1 =	seq.s32 s10, $0x1;
	s10 =	sld [smem:$0x3FB6];
	_ =	sdelay $0x3  }
0x37: {  	[smem:$0x3FB6] =	sst s10  }
0x38: {  	s10 =	sld [smem:$0x3FB7]  }
0x39: {  	_ = 	snop;
	(pc) =	sbr.ind lr, $3  }
0x3a: {  	_ = 	snop  }
0x3b: {  	_ = 	snop  }
0x3c: {  	p2 =	seq.s32 s10, $0x1;
	s10 =	sld [smem:$0x3FB6]  }
0x3d: {  	_ =	shalt  }
0x3e: {  	_ =	shalt  }
0x3f: {  	_ =	shalt  }
0x40: {  	_ =	shalt  }
0x41: {  	_ =	shalt  }
0x42: {  	_ =	shalt  }
0x43: {  	_ =	shalt  }
0x44: {  	_ =	shalt  }
0x45: {  	_ =	shalt  }
0x46: {  	_ =	shalt  }
0x47: {  	_ =	shalt  }
0x48: {  	_ =	shalt  }
0x49: {  	_ =	shalt  }
0x4a: {  	_ =	shalt  }
0x4b: {  	_ =	shalt  }
0x4c: {  	_ =	shalt  }
0x4d: {  	_ =	shalt  }
0x4e: {  	_ =	shalt  }
0x4f: {  	_ =	shalt  }
0x50: {  	_ =	shalt  }
0x51: {  	_ =	shalt  }
0x52: {  	_ =	shalt  }
0x53: {  	_ =	shalt  }
0x54: {  	_ =	shalt  }
0x55: {  	_ =	shalt  }
0x56: {  	_ =	shalt  }
0x57: {  	_ =	shalt  }
0x58: {  	_ =	shalt  }
0x59: {  	_ =	shalt  }
0x5a: {  	_ =	shalt  }
0x5b: {  	_ =	shalt  }
0x5c: {  	_ =	shalt  }
0x5d: {  	_ =	shalt  }
0x5e: {  	_ =	shalt  }
0x5f: {  	_ =	shalt  }
0x60: {  	_ =	shalt  }
0x61: {  	_ =	shalt  }
0x62: {  	_ =	shalt  }
0x63: {  	_ =	shalt  }
0x64: {  	_ =	shalt  }
0x65: {  	_ =	shalt  }
0x66: {  	_ =	shalt  }
0x67: {  	_ =	shalt  }
0x68: {  	_ =	shalt  }
0x69: {  	_ =	shalt  }
0x6a: {  	_ =	shalt  }
0x6b: {  	_ =	shalt  }
0x6c: {  	_ =	shalt  }
0x6d: {  	_ =	shalt  }
0x6e: {  	_ =	shalt  }
0x6f: {  	_ =	shalt  }
0x70: {  	_ =	shalt  }
0x71: {  	_ =	shalt  }
0x72: {  	_ =	shalt  }
0x73: {  	_ =	shalt  }
0x74: {  	_ =	shalt  }
0x75: {  	_ =	shalt  }
0x76: {  	_ =	shalt  }
0x77: {  	_ =	shalt  }
0x78: {  	_ =	shalt  }
0x79: {  	_ =	shalt  }
0x7a: {  	_ =	shalt  }
0x7b: {  	_ =	shalt  }
0x7c: {  	_ =	shalt  }
0x7d: {  	_ =	shalt  }
0x7e: {  	_ =	shalt  }
0x7f: {  	_ =	shalt  }
0x80: {  	_ =	shalt  }
0x81: {  	_ =	shalt  }
0x82: {  	_ =	shalt  }
0x83: {  	_ =	shalt  }
0x84: {  	_ =	shalt  }
0x85: {  	_ =	shalt  }
0x86: {  	_ =	shalt  }
0x87: {  	_ =	shalt  }
.Lfunc_end0:
.L_simem_size_0:
called_computation_lowered:
.L_overlay_start_0:
0x88: {  	s2 =	sld [smem:$0x3FD9]  }
0x89: {  	s3 =	sld [smem:$0x3FFE];
	_ =	sdelay $0x1  }
0x8a: {  	s1 =	srdreg.scid  }
0x8b: {  	s0 =	sand.u32 $0x1, s1  }
0x8c: {  	s16 =	sshll.u32 s0, $0xA;
	s2 =	sadd.s32 s3, s2  }
0x8d: {  	s2 =	sadd.s32 s2, s16  }
0x8e: {  	[smem:$0x3FC2] =	sst s2  }
0x8f: {  	_ = 	snop  }
0x90: {  	(tm) =	ssettm $0x1  }
0x91: {  	s17 =	sld [smem:$0x3FFB];
	_ =	sdelay $0x3  }
0x92: {  	_ =	strace s17  }
0x93: {  	s2 =	sld [smem:$0x3FFC];
	_ =	sdelay $0x3  }
0x94: {  	_ =	strace s2  }
0x95: {  	s2 =	sld [smem:$0x3FFD];
	_ =	sdelay $0x3  }
0x96: {  	_ =	strace s2  }
0x97: {  	_ =	strace $0x8FFFFFFF  }
0x98: {  	s18 =	sld [smem:$0x3FDB];
	_ =	sdelay $0x1  }
0x99: {  	s19 =	simm.s32 $_scs_section_size  }
0x9a: {  	s4 =	simm.s32 $_size__tile_overlayer_lowered;
	s5 =	simm.s32 $_tile_overlayer_lowered  }
0x9b: {  	s22 =	simm.s32 $0x1BFF;
	s21 =	sshll.u32 s5, $0x1;
	s2 =	sadd.s32 s19, s18  }
0x9c: {  	s6 =	simm.s32 $0x0;
	s20 =	sshll.u32 s4, $0x1;
	s4 =	sadd.s32 s21, s2  }
0x9d: {  	[timem:s6], [sflag:s22] =	dma.local [hbm:s4], s20  }
0x9e: {  	_ =	swait.ge [sflag:s22], s20  }
0x9f: {  	s3 =	ssub.s32 $0x0, s20;
	[sflag:s22] =	ssyncset.done $0x0  }
0xa0: {  	[sflag:s22] =	ssyncadd.s32 s3;
	_ =	sdelay $0x1  }
0xa1: {  	s23 =	simm.s32 $0x1B8B  }
0xa2: {  	_ =	swait.ge [sflag:s23], $0x1  }
0xa3: {  	[sflag:s23] =	ssyncset.done $0x0  }
0xa4: {  	s25 =	simm.s32 $0x1B8E;
	s24 =	sld [smem:$0x3FFE];
	[sflag:s23] =	ssyncadd.s32 $0xFFFFFFFF  }
0xa5: {  	s26 =	simm.s32 $execute0_lowered;
	[smem:$0x3FD2] =	sst s25  }
0xa6: {  	s4 =	sshll.u32 s26, $0x1;
	_ =	strace $0x80000046;
	[dreg:$0x1] =	wrdreg $0xFFFFFFFF  }
0xa7: {  	s28 =	simm.s32 $_size_execute0_lowered;
	s2 =	sadd.s32 s2, s4;
	[dreg:$0x0] =	wrdreg $0x0  }
0xa8: {  	s4 =	sshll.u32 s28, $0x1;
	[dreg:$0x2] =	wrdreg s2  }
0xa9: {  	[dreg:$0x3] =	wrdreg s4  }
0xaa: {  	[dreg:$0x4] =	wrdreg $0xC0  }
0xab: {  	_ =	task [dreg:s6], $0x5FFFF  }
0xac: {  	[dreg:$0x1] =	wrdreg $0xFFFFFFFF  }
0xad: {  	[dreg:$0x0] =	wrdreg $0x60  }
0xae: {  	[dreg:$0x2] =	wrdreg s24  }
0xaf: {  	[dreg:$0x3] =	wrdreg $0x9  }
0xb0: {  	_ =	task.clear_ibuf [dreg:s6], $0x4FFFF;
	_ =	strace $0x90000046  }
0xb1: {  	s29 =	simm.s32 $0x9;
	_ =	strace $0x80000048  }
0xb2: {  	_ =	swait.ge [sflag:s29], $0x1  }
0xb3: {  	[sflag:s29] =	ssyncadd.s32 $0xFFFFFFFF  }
0xb4: {  	_ =	strace $0x90000048  }
0xb5: {  	_ =	sfence  }
0xb6: {  	s30 =	sld [smem:$0x0];
	_ =	sdelay $0x2  }
0xb7: {  	s31 =	sshll.u32 s1, $0xD;
	s1 =	sshrl.u32 s1, $0x2  }
0xb8: {  	s3 =	sand.u32 $0x4000, s31;
	s1 =	sadd.s32 s1, s30  }
0xb9: {  	s0 =	sor.u32 s3, s0;
	s1 =	sshll.u32 s1, $0x11  }
0xba: {  	s0 =	sor.u32 s1, s0  }
0xbb: {  	s0 =	sadd.s32 $0x8F2B, s0  }
0xbc: {  	[sflag:s0] =	ssyncadd.remote.s32 $0x1  }
0xbd: {  	_ =	sfence.sel $0xFFFF  }
0xbe: {  	[dreg:$0x0] =	wrdreg $0xFFFFFFFF;
	(pc) =	sbr.abs _section_cstart, $3  }
0xbf: {  	[dreg:$0x1] =	wrdreg $0xFFFFFFFF  }
0xc0: {  	_ =	task.clear_ibuf [dreg:s6], $0x2FFFF;
	_ =	strace $0x9FFFFFFF  }
0xc1: {  	(tm) =	ssettm $0x7FFFFFFF  }
tec
execute0_lowered:
.L_overlay_start_1:
0x0: {  	(tag) =	ssettag $0x1  }
0x1: {  	s5 =	rddreg [dreg:$0x0]  }
0x2: {  	s0 =	rddreg [dreg:$0x1];
	s1 =	stileid.u32  }
0x3: {  	s2 =	simm.s32 $0x0;
	s3 =	srdreg.scid;
	s13 =	simm.s32 $0x40  }
0x4: {  	s14 =	simm.s32 $0x80;
	s15 =	simm.s32 $0x0;
	s6 =	smul.u32 $0x14000, s1  }
0x5: {  	[smem:$0x7FF] =	sst s2;
	s4 =	sand.u32 $0x1, s3;
	s7 =	smul.u32 $0x1400, s1  }
0x6: {  	s3 =	sadd.s32 $0x2600, s5;
	s8 =	ssub.s32 $0x2, s4;
	s9 =	smul.u32 $0xA00, s4  }
0x7: {  	_ =	strace $0x80000047;
	s11 =	smul.u32 $0xA000, s4;
	s10 =	sshrl.u32 s8, $0x1  }
0x8: {  	s4 =	sadd.s32 $0x7600, s5;
	s12 =	sadd.s32 s6, s5;
	s30 =	ssub.s32 s8, s10  }
0x9: {  	s6 =	sadd.s32 s9, s7;
	s31 =	sadd.s32 s11, s12;
	s8 =	simm.s32 $0x2  }
0xa: {  	s9 =	simm.s32 $0x200;
	s10 =	simm.s32 $0x400;
	s11 =	simm.s32 $0x1  }
0xb: {  	s12 =	simm.s32 $0x8400;
	s5 =	smax.u32 s30, $0x1;
	s7 =	sadd.s32 $0x7B7808, s31  }
.LBB2_1:
0xc: {  	s16 =	sand.u32 $0xFFFFF800, s6  }
0xd: {  	s16 =	sadd.s32 s16, s6  }
0xe: {  	s16 =	sadd.s32 $0x0, s16  }
0xf: {  	s17 =	sshrl.u32 s16, $0x3  }
0x10: {  	s17 =	sadd.s32 s3, s17  }
0x11: {  	[tilespmem:s2], [sflag:$0x2] =	stream.linear.gather [hbm4b:s17+s2], $0x200, $0x38;
	[tilespmem:$0x10400] =	vst v63  }
0x12: {  	s16 =	sadd.s32 $0x800, s16;
	_ =	swait.ge [sflag:s8], $0x200  }
0x13: {  	s16 =	sshrl.u32 s16, $0x3;
	[sflag:s8] =	ssyncset.done $0x0  }
0x14: {  	s16 =	sadd.s32 s3, s16;
	[sflag:s8] =	ssyncadd.s32 $0xFFFFFE00  }
0x15: {  	[tilespmem:s9], [sflag:$0x2] =	stream.linear.gather [hbm4b:s16+s2], $0x200, $0x38;
	[tilespmem:$0x10400] =	vst v63  }
0x16: {  	_ =	swait.ge [sflag:s8], $0x200  }
0x17: {  	[sflag:s8] =	ssyncset.done $0x0  }
0x18: {  	[sflag:s8] =	ssyncadd.s32 $0xFFFFFE00  }
0x19: {  	[tilespmem:s10], [sflag:$0x1] =	stream.indirect.gather [hbm4b:s4+s9], $0x40, s2, s9, $0xb8;
	[tilespmem:$0x10400] =	vst v63  }
0x1a: {  	_ =	swait.ge [sflag:s11], $0x8000  }
0x1b: {  	[sflag:s11] =	ssyncset.done $0x0  }
0x1c: {  	[sflag:s11] =	ssyncadd.s32 $0xFFFF8000  }
0x1d: {  	[tilespmem:s12], [sflag:$0x1] =	stream.indirect.gather [hbm4b:s4+s9], $0x40, s9, s9, $0xb8;
	[tilespmem:$0x10400] =	vst v63  }
0x1e: {  	_ =	swait.ge [sflag:s11], $0x8000  }
0x1f: {  	[sflag:s11] =	ssyncset.done $0x0  }
0x20: {  	s30 =	sadd.s32 $0xFFFFFFF8, s7;
	[sflag:s11] =	ssyncadd.s32 $0xFFFF8000  }
0x21: {  	[hbm4b:s30+s13] =	stream.strided.scatter [tilespmem:s10], [sflag:$0x2], $0x8000, s14, s13, $0x38;
	[tilespmem:$0x10400] =	vst v63  }
0x22: {  	_ =	swait.ge [sflag:s8], $0x8000  }
0x23: {  	s17 =	sadd.s32 $0x200, s6;
	[sflag:s8] =	ssyncset.done $0x0  }
0x24: {  	s31 =	sand.u32 $0xFFFFF800, s17;
	[sflag:s8] =	ssyncadd.s32 $0xFFFF8000  }
0x25: {  	[hbm4b:s7+s13] =	stream.strided.scatter [tilespmem:s12], [sflag:$0x2], $0x8000, s14, s13, $0x38;
	[tilespmem:$0x10400] =	vst v63  }
0x26: {  	s19 =	simm.s32 $0x400;
	s16 =	sadd.s32 s31, s6;
	_ =	swait.ge [sflag:s8], $0x8000  }
0x27: {  	s18 =	sadd.s32 $0x200, s16;
	s16 =	sadd.s32 $0x2000, s7;
	[sflag:s8] =	ssyncset.done $0x0  }
.LBB2_2:
0x28: {  	s20 =	sshrl.u32 s18, $0x3  }
0x29: {  	[sflag:s8] =	ssyncadd.s32 $0xFFFF8000;
	s21 =	smov.u32 s19;
	s22 =	sadd.s32 $0x200, s19  }
0x2a: {  	p0 =	sne.s32 s19, $0x800;
	s19 =	sadd.s32 s3, s20  }
0x2b: {  	[tilespmem:s2], [sflag:$0x2] =	stream.linear.gather [hbm4b:s19+s2], $0x200, $0x38;
	[tilespmem:$0x10400] =	vst v63  }
0x2c: {  	s18 =	sadd.s32 $0x800, s18;
	_ =	swait.ge [sflag:s8], $0x200  }
0x2d: {  	s18 =	sshrl.u32 s18, $0x3;
	[sflag:s8] =	ssyncset.done $0x0  }
0x2e: {  	s18 =	sadd.s32 s3, s18;
	[sflag:s8] =	ssyncadd.s32 $0xFFFFFE00  }
0x2f: {  	[tilespmem:s9], [sflag:$0x2] =	stream.linear.gather [hbm4b:s18+s2], $0x200, $0x38;
	[tilespmem:$0x10400] =	vst v63  }
0x30: {  	_ =	swait.ge [sflag:s8], $0x200  }
0x31: {  	[sflag:s8] =	ssyncset.done $0x0  }
0x32: {  	[sflag:s8] =	ssyncadd.s32 $0xFFFFFE00  }
0x33: {  	[tilespmem:s10], [sflag:$0x1] =	stream.indirect.gather [hbm4b:s4+s9], $0x40, s2, s9, $0xb8;
	[tilespmem:$0x10400] =	vst v63  }
0x34: {  	_ =	swait.ge [sflag:s11], $0x8000  }
0x35: {  	[sflag:s11] =	ssyncset.done $0x0  }
0x36: {  	[sflag:s11] =	ssyncadd.s32 $0xFFFF8000  }
0x37: {  	[tilespmem:s12], [sflag:$0x1] =	stream.indirect.gather [hbm4b:s4+s9], $0x40, s9, s9, $0xb8;
	[tilespmem:$0x10400] =	vst v63  }
0x38: {  	_ =	swait.ge [sflag:s11], $0x8000  }
0x39: {  	[sflag:s11] =	ssyncset.done $0x0  }
0x3a: {  	s18 =	sadd.s32 $0xFFFFFFF8, s16;
	[sflag:s11] =	ssyncadd.s32 $0xFFFF8000  }
0x3b: {  	[hbm4b:s18+s13] =	stream.strided.scatter [tilespmem:s10], [sflag:$0x2], $0x8000, s14, s13, $0x38;
	[tilespmem:$0x10400] =	vst v63  }
0x3c: {  	_ =	swait.ge [sflag:s8], $0x8000  }
.Ltmp0:
0x3d: {  	s17 =	sadd.s32 $0x200, s17;
	[sflag:s8] =	ssyncset.done $0x0;
	(pc) =	sbr.rel @p0 .LBB2_2-.Ltmp0, $4  }
0x3e: {  	s18 =	sand.u32 $0xFFFFF800, s17;
	[sflag:s8] =	ssyncadd.s32 $0xFFFF8000  }
0x3f: {  	[hbm4b:s16+s13] =	stream.strided.scatter [tilespmem:s12], [sflag:$0x2], $0x8000, s14, s13, $0x38;
	[tilespmem:$0x10400] =	vst v63  }
0x40: {  	s19 =	smov.u32 s22;
	s18 =	sadd.s32 s18, s6;
	_ =	swait.ge [sflag:s8], $0x8000  }
0x41: {  	s18 =	sadd.s32 s18, s21;
	s16 =	sadd.s32 $0x2000, s16;
	[sflag:s8] =	ssyncset.done $0x0  }
0x42: {  	s17 =	sshrl.u32 s18, $0x3  }
0x43: {  	[sflag:s8] =	ssyncadd.s32 $0xFFFF8000;
	s17 =	sadd.s32 s3, s17  }
0x44: {  	[tilespmem:s2], [sflag:$0x2] =	stream.linear.gather [hbm4b:s17+s2], $0x200, $0x38;
	[tilespmem:$0x10400] =	vst v63  }
0x45: {  	s30 =	sadd.s32 $0x800, s18;
	_ =	swait.ge [sflag:s8], $0x200  }
0x46: {  	s17 =	sshrl.u32 s30, $0x3;
	[sflag:s8] =	ssyncset.done $0x0  }
0x47: {  	s17 =	sadd.s32 s3, s17;
	[sflag:s8] =	ssyncadd.s32 $0xFFFFFE00  }
0x48: {  	[tilespmem:s9], [sflag:$0x2] =	stream.linear.gather [hbm4b:s17+s2], $0x200, $0x38;
	[tilespmem:$0x10400] =	vst v63  }
0x49: {  	_ =	swait.ge [sflag:s8], $0x200  }
0x4a: {  	[sflag:s8] =	ssyncset.done $0x0  }
0x4b: {  	[sflag:s8] =	ssyncadd.s32 $0xFFFFFE00  }
0x4c: {  	[tilespmem:s10], [sflag:$0x1] =	stream.indirect.gather [hbm4b:s4+s9], $0x40, s2, s9, $0xb8;
	[tilespmem:$0x10400] =	vst v63  }
0x4d: {  	_ =	swait.ge [sflag:s11], $0x8000  }
0x4e: {  	[sflag:s11] =	ssyncset.done $0x0  }
0x4f: {  	[sflag:s11] =	ssyncadd.s32 $0xFFFF8000  }
0x50: {  	[tilespmem:s12], [sflag:$0x1] =	stream.indirect.gather [hbm4b:s4+s9], $0x40, s9, s9, $0xb8;
	[tilespmem:$0x10400] =	vst v63  }
0x51: {  	_ =	swait.ge [sflag:s11], $0x8000  }
0x52: {  	[sflag:s11] =	ssyncset.done $0x0  }
0x53: {  	s31 =	sadd.s32 $0xFFFFFFF8, s16;
	[sflag:s11] =	ssyncadd.s32 $0xFFFF8000  }
0x54: {  	[hbm4b:s31+s13] =	stream.strided.scatter [tilespmem:s10], [sflag:$0x2], $0x8000, s14, s13, $0x38;
	[tilespmem:$0x10400] =	vst v63  }
0x55: {  	s15 =	sadd.s32 $0x1, s15;
	_ =	swait.ge [sflag:s8], $0x8000  }
0x56: {  	p0 =	sne.s32 s15, s5;
	[sflag:s8] =	ssyncset.done $0x0  }
.Ltmp1:
0x57: {  	[sflag:s8] =	ssyncadd.s32 $0xFFFF8000;
	(pc) =	sbr.rel @p0 .LBB2_1-.Ltmp1, $4  }
0x58: {  	[hbm4b:s16+s13] =	stream.strided.scatter [tilespmem:s12], [sflag:$0x2], $0x8000, s14, s13, $0x38;
	[tilespmem:$0x10400] =	vst v63  }
0x59: {  	_ =	swait.ge [sflag:s8], $0x8000  }
0x5a: {  	[sflag:s8] =	ssyncset.done $0x0  }
0x5b: {  	[sflag:s8] =	ssyncadd.s32 $0xFFFF8000  }
0x5c: {  	_ =	sfence.sel $0x180000  }
0x5d: {  	[bflag:$0x0] =	sbarrier.arrive $0xFFFF  }
0x5e: {  	p0 =	sne.s32 s1, $0x0;
	_ =	strace $0x90000047  }
0x5f: {  	s0 =	sadd.s32 @!p0 $0x100000, s0;
	[bflag:$0x2] =	sbarrier.arrive $0xFFFF  }
0x60: {  	[sflag:s0] =	ssyncadd.tile.s32 @!p0 $0x1;
	_ =	shalt  }
.Lfunc_end2:
_tile_overlayer_lowered:
.L_overlay_start_2:
0x61: {  	(tag) =	ssettag $0x2  }
0x62: {  	s0 =	rddreg [dreg:$0x0];
	s2 =	stileid.u32  }
0x63: {  	s1 =	rddreg [dreg:$0x1];
	p0 =	sne.s32 s2, $0x0  }
0x64: {  	s3 =	rddreg [dreg:$0x2];
	[bflag:$0x3] =	sbarrier.arrive $0xFFFF;
	s2 =	simm.s32 @!p0 $0x1C02  }
0x65: {  	[timem:s3], [sflag:s2] =	dma.local @!p0 [hbm:s0], s1  }
0x66: {  	s0 =	simm.s32 @!p0 $0x2  }
0x67: {  	_ =	swait.ge @!p0 [sflag:s0], s1  }
0x68: {  	s1 =	ssub.s32 @!p0 $0x0, s1;
	[sflag:s0] =	ssyncset.done @!p0 $0x0  }
0x69: {  	[sflag:s0] =	ssyncadd.s32 @!p0 s1  }
0x6a: {  	[bflag:$0x3] =	sbarrier.arrive $0xFFFF  }
0x6b: {  	_ =	shalt  }

// kernel: kernel.16.cloned.1.call-start
scs
__scs_entry_jumppad:
0x0: {  	(pc) =	sbr.rel $0x88, $3  }
0x1: {  	(tag) =	ssettag $0x0;
	lr =	simm.s32 $0x1  }
0x2: {  	[smem:$0x3F9B] =	sst lr;
	_ =	strace $0xD0000000  }
0x3: {  	_ = 	snop  }
0x4: {  	_ = 	snop  }
0x5: {  	_ = 	snop  }
0x6: {  	_ = 	snop  }
0x7: {  	_ = 	snop  }
__scs_overlays_trampoline_lowered:
0x8: {  	[smem:$0x3FAA] =	sst s0  }
0x9: {  	[smem:$0x3FAB] =	sst s1  }
0xa: {  	[smem:$0x3FAC] =	sst s2  }
0xb: {  	[smem:$0x3FAD] =	sst s3  }
0xc: {  	[smem:$0x3FAE] =	sst s4  }
0xd: {  	[smem:$0x3FAF] =	sst s5  }
0xe: {  	[smem:$0x3FB0] =	sst s6  }
0xf: {  	[smem:$0x3FB1] =	sst s7  }
0x10: {  	[smem:$0x3FB2] =	sst s8  }
0x11: {  	[smem:$0x3FB3] =	sst s9;
	s0 =	simm.s32 @!p0 $0x0  }
0x12: {  	s1 =	sld [smem:$0x3F99];
	s0 =	simm.s32 @p0 $0x1  }
0x13: {  	[smem:$0x3FB4] =	sst s0;
	s0 =	simm.s32 @!p1 $0x0  }
0x14: {  	s2 =	sld [smem:$0x3F98];
	s0 =	simm.s32 @p1 $0x1  }
0x15: {  	[smem:$0x3FB5] =	sst s0;
	s0 =	simm.s32 @!p2 $0x0  }
0x16: {  	s3 =	sld [smem:$0x3FDB];
	s0 =	simm.s32 @p2 $0x1  }
0x17: {  	s4 =	simm.s32 $0x1BF5;
	[smem:$0x3FB7] =	sst s0  }
0x18: {  	s0 =	sld [smem:$0x3F9A];
	_ =	swait.ge [sflag:s4], $0x0  }
0x19: {  	s7 =	sld [smem:$0x3F9B]  }
0x1a: {  	s8 =	sadd.s32 $0xFFFFE003, lr  }
0x1b: {  	s9 =	sadd.s32 $0xFFFFFEF7, lr;
	s5 =	simm.s32 $0xFFFFFFFF;
	p2 =	slt.u32 s8, $0xFFFFF086  }
0x1c: {  	p1 =	slt.u32 s9, $0xF7A;
	s5 =	simm.s32 @!p2 $0x0  }
0x1d: {  	s5 =	simm.s32 @p1 $0x1;
	p0 =	seq.s32 s7, s2  }
0x1e: {  	s7 =	smul.u32 @!p0 $0xF7A, s2;
	p2 =	seq.s32 @!p0 s5, $0x0  }
0x1f: {  	s9 =	smul.u32 $0xF7A, s1;
	s8 =	simm.s32 @!p0 $0x1BF5;
	p2 =	por !p2, p0  }
0x20: {  	[sflag:s8] =	ssyncset.s32 @!p0 $0xFFFFF086;
	s6 =	sadd.s32 @!p0 s3, s7;
	s7 =	simm.s32 @!p0 $0x108  }
0x21: {  	s3 =	sadd.s32 s3, s9;
	s6 =	sadd.s32 @!p0 $0x88, s6;
	s7 =	simm.s32 @p2 $0x1082  }
0x22: {  	[simem:s7], [sflag:s8] =	dma.local @!p0 [hbm:s6], $0xF7A  }
0x23: {  	s9 =	sor.u32 $0xD0000000, s2;
	s6 =	simm.s32 $0x108;
	_ =	swait.ge @!p0 [sflag:s8], $0x0  }
0x24: {  	s3 =	sadd.s32 $0x88, s3;
	s6 =	simm.s32 @!p1 $0x1082;
	[sflag:s4] =	ssyncset.s32 $0xFFFFF086  }
0x25: {  	[simem:s6], [sflag:s4] =	dma.local [hbm:s3], $0xF7A  }
0x26: {  	[smem:$0x3F9B] =	sst s1;
	(tag) =	ssettag s2;
	_ =	strace s9  }
0x27: {  	s1 =	sld [smem:$0x3FAB]  }
0x28: {  	s2 =	sld [smem:$0x3FAC]  }
0x29: {  	s4 =	sld [smem:$0x3FAE]  }
0x2a: {  	p0 =	seq.s32 s5, $0x0;
	s5 =	sld [smem:$0x3FAF]  }
0x2b: {  	s6 =	sld [smem:$0x3FB0]  }
0x2c: {  	s7 =	sld [smem:$0x3FB1]  }
0x2d: {  	s3 =	simm.s32 $0x108;
	s8 =	sld [smem:$0x3FB2]  }
0x2e: {  	s3 =	simm.s32 @!p0 $0x1082;
	s9 =	sld [smem:$0x3FB3]  }
0x2f: {  	lr =	sadd.s32 s0, s3;
	s0 =	sld [smem:$0x3FAA]  }
0x30: {  	s3 =	sld [smem:$0x3FAD]  }
0x31: {  	[smem:$0x3FB6] =	sst s10  }
0x32: {  	s10 =	sld [smem:$0x3FB4];
	_ =	sdelay $0x3  }
0x33: {  	p0 =	seq.s32 s10, $0x1;
	s10 =	sld [smem:$0x3FB6];
	_ =	sdelay $0x3  }
0x34: {  	[smem:$0x3FB6] =	sst s10  }
0x35: {  	s10 =	sld [smem:$0x3FB5];
	_ =	sdelay $0x3  }
0x36: {  	p1 =	seq.s32 s10, $0x1;
	s10 =	sld [smem:$0x3FB6];
	_ =	sdelay $0x3  }
0x37: {  	[smem:$0x3FB6] =	sst s10  }
0x38: {  	s10 =	sld [smem:$0x3FB7]  }
0x39: {  	_ = 	snop;
	(pc) =	sbr.ind lr, $3  }
0x3a: {  	_ = 	snop  }
0x3b: {  	_ = 	snop  }
0x3c: {  	p2 =	seq.s32 s10, $0x1;
	s10 =	sld [smem:$0x3FB6]  }
0x3d: {  	_ =	shalt  }
0x3e: {  	_ =	shalt  }
0x3f: {  	_ =	shalt  }
0x40: {  	_ =	shalt  }
0x41: {  	_ =	shalt  }
0x42: {  	_ =	shalt  }
0x43: {  	_ =	shalt  }
0x44: {  	_ =	shalt  }
0x45: {  	_ =	shalt  }
0x46: {  	_ =	shalt  }
0x47: {  	_ =	shalt  }
0x48: {  	_ =	shalt  }
0x49: {  	_ =	shalt  }
0x4a: {  	_ =	shalt  }
0x4b: {  	_ =	shalt  }
0x4c: {  	_ =	shalt  }
0x4d: {  	_ =	shalt  }
0x4e: {  	_ =	shalt  }
0x4f: {  	_ =	shalt  }
0x50: {  	_ =	shalt  }
0x51: {  	_ =	shalt  }
0x52: {  	_ =	shalt  }
0x53: {  	_ =	shalt  }
0x54: {  	_ =	shalt  }
0x55: {  	_ =	shalt  }
0x56: {  	_ =	shalt  }
0x57: {  	_ =	shalt  }
0x58: {  	_ =	shalt  }
0x59: {  	_ =	shalt  }
0x5a: {  	_ =	shalt  }
0x5b: {  	_ =	shalt  }
0x5c: {  	_ =	shalt  }
0x5d: {  	_ =	shalt  }
0x5e: {  	_ =	shalt  }
0x5f: {  	_ =	shalt  }
0x60: {  	_ =	shalt  }
0x61: {  	_ =	shalt  }
0x62: {  	_ =	shalt  }
0x63: {  	_ =	shalt  }
0x64: {  	_ =	shalt  }
0x65: {  	_ =	shalt  }
0x66: {  	_ =	shalt  }
0x67: {  	_ =	shalt  }
0x68: {  	_ =	shalt  }
0x69: {  	_ =	shalt  }
0x6a: {  	_ =	shalt  }
0x6b: {  	_ =	shalt  }
0x6c: {  	_ =	shalt  }
0x6d: {  	_ =	shalt  }
0x6e: {  	_ =	shalt  }
0x6f: {  	_ =	shalt  }
0x70: {  	_ =	shalt  }
0x71: {  	_ =	shalt  }
0x72: {  	_ =	shalt  }
0x73: {  	_ =	shalt  }
0x74: {  	_ =	shalt  }
0x75: {  	_ =	shalt  }
0x76: {  	_ =	shalt  }
0x77: {  	_ =	shalt  }
0x78: {  	_ =	shalt  }
0x79: {  	_ =	shalt  }
0x7a: {  	_ =	shalt  }
0x7b: {  	_ =	shalt  }
0x7c: {  	_ =	shalt  }
0x7d: {  	_ =	shalt  }
0x7e: {  	_ =	shalt  }
0x7f: {  	_ =	shalt  }
0x80: {  	_ =	shalt  }
0x81: {  	_ =	shalt  }
0x82: {  	_ =	shalt  }
0x83: {  	_ =	shalt  }
0x84: {  	_ =	shalt  }
0x85: {  	_ =	shalt  }
0x86: {  	_ =	shalt  }
0x87: {  	_ =	shalt  }
.Lfunc_end0:
.L_simem_size_0:
called_computation.1_lowered:
.L_overlay_start_0:
0x88: {  	s2 =	sld [smem:$0x3FD9]  }
0x89: {  	s3 =	sld [smem:$0x3FFE];
	_ =	sdelay $0x1  }
0x8a: {  	s1 =	srdreg.scid  }
0x8b: {  	s0 =	sand.u32 $0x1, s1  }
0x8c: {  	s17 =	sshll.u32 s0, $0xA;
	s2 =	sadd.s32 s3, s2  }
0x8d: {  	s2 =	sadd.s32 s2, s17  }
0x8e: {  	[smem:$0x3FC2] =	sst s2  }
0x8f: {  	_ = 	snop  }
0x90: {  	(tm) =	ssettm $0x1  }
0x91: {  	s18 =	sld [smem:$0x3FFB];
	_ =	sdelay $0x3  }
0x92: {  	_ =	strace s18  }
0x93: {  	s2 =	sld [smem:$0x3FFC];
	_ =	sdelay $0x3  }
0x94: {  	_ =	strace s2  }
0x95: {  	s2 =	sld [smem:$0x3FFD];
	_ =	sdelay $0x3  }
0x96: {  	_ =	strace s2  }
0x97: {  	_ =	strace $0x8FFFFFFF  }
0x98: {  	s19 =	sld [smem:$0x3FDB];
	_ =	sdelay $0x1  }
0x99: {  	s20 =	simm.s32 $_scs_section_size  }
0x9a: {  	s4 =	simm.s32 $_size__tile_overlayer_lowered;
	s5 =	simm.s32 $_tile_overlayer_lowered  }
0x9b: {  	s6 =	simm.s32 $0x1BFF;
	s21 =	sshll.u32 s5, $0x1;
	s3 =	sadd.s32 s20, s19  }
0x9c: {  	s22 =	simm.s32 $0x0;
	s4 =	sshll.u32 s4, $0x1;
	s5 =	sadd.s32 s21, s3  }
0x9d: {  	[timem:s22], [sflag:s6] =	dma.local [hbm:s5], s4  }
0x9e: {  	_ =	swait.ge [sflag:s6], s4  }
0x9f: {  	s4 =	ssub.s32 $0x0, s4;
	[sflag:s6] =	ssyncset.done $0x0  }
0xa0: {  	[sflag:s6] =	ssyncadd.s32 s4;
	_ =	sdelay $0x1  }
0xa1: {  	s23 =	simm.s32 $0x1B8B  }
0xa2: {  	_ =	swait.ge [sflag:s23], $0x1  }
0xa3: {  	[sflag:s23] =	ssyncset.done $0x0  }
0xa4: {  	[sflag:s23] =	ssyncadd.s32 $0xFFFFFFFF  }
0xa5: {  	s4 =	sld [smem:$0x0]  }
0xa6: {  	s5 =	sand.u32 $0xFFFFFFFE, s1  }
0xa7: {  	p0 =	sne.s32 s1, s5  }
0xa8: {  	s5 =	sshll.u32 @p0 s5, $0xE  }
0xa9: {  	s5 =	sadd.s32 @p0 $0x11B8D, s5;
	s6 =	sshll.u32 @p0 s4, $0x11  }
0xaa: {  	s5 =	sor.u32 @p0 s6, s5  }
0xab: {  	[sflag:s5] =	ssyncadd.remote.s32 @p0 $0x1;
	_ =	sdelay $0x1  }
0xac: {  	s5 =	simm.s32 @p0 $0x1B8D  }
0xad: {  	_ =	swait.eq @p0 [sflag:s5], $0x1  }
0xae: {  	[sflag:s5] =	ssyncadd.s32 @p0 $0xFFFFFFFF  }
0xaf: {  	s6 =	sshll.u32 @!p0 s1, $0xE  }
0xb0: {  	s6 =	sor.u32 @!p0 $0x4000, s6;
	s5 =	simm.s32 @!p0 $0x1B8D  }
0xb1: {  	s4 =	sshll.u32 @!p0 s4, $0x11;
	s6 =	sadd.s32 @!p0 $0x11B8D, s6;
	_ =	swait.eq @!p0 [sflag:s5], $0x1  }
0xb2: {  	s4 =	sor.u32 @!p0 s4, s6;
	[sflag:s5] =	ssyncadd.s32 @!p0 $0xFFFFFFFF  }
0xb3: {  	s25 =	simm.s32 $0x1B8E;
	s24 =	sld [smem:$0x3FFE];
	[sflag:s4] =	ssyncadd.remote.s32 @!p0 $0x1  }
0xb4: {  	s26 =	simm.s32 $execute0_lowered;
	[smem:$0x3FD2] =	sst s25  }
0xb5: {  	s5 =	sshll.u32 s26, $0x1;
	_ =	strace $0x80000049;
	[dreg:$0x1] =	wrdreg $0xFFFFFFFF  }
0xb6: {  	s28 =	simm.s32 $_size_execute0_lowered;
	s3 =	sadd.s32 s3, s5;
	[dreg:$0x0] =	wrdreg $0x0  }
0xb7: {  	s5 =	sshll.u32 s28, $0x1;
	[dreg:$0x2] =	wrdreg s3  }
0xb8: {  	[dreg:$0x3] =	wrdreg s5  }
0xb9: {  	[dreg:$0x4] =	wrdreg $0xC0  }
0xba: {  	_ =	task [dreg:s22], $0x5FFFF  }
0xbb: {  	[dreg:$0x1] =	wrdreg $0xFFFFFFFF  }
0xbc: {  	[dreg:$0x0] =	wrdreg $0x60  }
0xbd: {  	[dreg:$0x2] =	wrdreg s24  }
0xbe: {  	[dreg:$0x3] =	wrdreg $0xA  }
0xbf: {  	_ =	task.clear_ibuf [dreg:s22], $0x4FFFF;
	_ =	strace $0x90000049  }
0xc0: {  	s29 =	simm.s32 $0xA;
	_ =	strace $0x8000004B  }
0xc1: {  	_ =	swait.ge [sflag:s29], $0x1  }
0xc2: {  	[sflag:s29] =	ssyncadd.s32 $0xFFFFFFFF  }
0xc3: {  	_ =	strace $0x9000004B  }
0xc4: {  	_ =	sfence  }
0xc5: {  	s30 =	sld [smem:$0x0];
	_ =	sdelay $0x2  }
0xc6: {  	s31 =	sshll.u32 s1, $0xD;
	s1 =	sshrl.u32 s1, $0x2  }
0xc7: {  	s4 =	sand.u32 $0x4000, s31;
	s1 =	sadd.s32 s1, s30  }
0xc8: {  	s0 =	sor.u32 s4, s0;
	s1 =	sshll.u32 s1, $0x11  }
0xc9: {  	s0 =	sor.u32 s1, s0  }
0xca: {  	s0 =	sadd.s32 $0x8F2B, s0  }
0xcb: {  	[sflag:s0] =	ssyncadd.remote.s32 $0x1  }
0xcc: {  	_ =	sfence.sel $0xFFFF  }
0xcd: {  	[dreg:$0x0] =	wrdreg $0xFFFFFFFF;
	(pc) =	sbr.abs _section_cstart, $3  }
0xce: {  	[dreg:$0x1] =	wrdreg $0xFFFFFFFF  }
0xcf: {  	_ =	task.clear_ibuf [dreg:s22], $0x2FFFF;
	_ =	strace $0x9FFFFFFF  }
0xd0: {  	(tm) =	ssettm $0x7FFFFFFF  }
0xd1: {  	_ =	shalt  }
tec
execute0_lowered:
.L_overlay_start_1:
0x0: {  	(tag) =	ssettag $0x1  }
0x1: {  	s5 =	rddreg [dreg:$0x0]  }
0x2: {  	s0 =	rddreg [dreg:$0x1];
	s1 =	stileid.u32  }
0x3: {  	s2 =	simm.s32 $0x0;
	s3 =	srdreg.scid;
	s13 =	simm.s32 $0x40  }
0x4: {  	s14 =	simm.s32 $0x80;
	s15 =	simm.s32 $0x0;
	s6 =	smul.u32 $0x14000, s1  }
0x5: {  	[smem:$0x7FF] =	sst s2;
	s4 =	sand.u32 $0x1, s3;
	s7 =	smul.u32 $0x1400, s1  }
0x6: {  	s3 =	sadd.s32 $0x8F7800, s5;
	s8 =	ssub.s32 $0x2, s4;
	s9 =	smul.u32 $0xA00, s4  }
0x7: {  	_ =	strace $0x8000004A;
	s11 =	smul.u32 $0xA000, s4;
	s10 =	sshrl.u32 s8, $0x1  }
0x8: {  	s4 =	sadd.s32 $0x7600, s5;
	s12 =	sadd.s32 s6, s5;
	s30 =	ssub.s32 s8, s10  }
0x9: {  	s6 =	sadd.s32 s9, s7;
	s31 =	sadd.s32 s11, s12;
	s8 =	simm.s32 $0x2  }
0xa: {  	s9 =	simm.s32 $0x200;
	s10 =	simm.s32 $0x400;
	s11 =	simm.s32 $0x1  }
0xb: {  	s12 =	simm.s32 $0x8400;
	s5 =	smax.u32 s30, $0x1;
	s7 =	sadd.s32 $0x90B808, s31  }
.LBB2_1:
0xc: {  	s16 =	sand.u32 $0xFFFFF800, s6  }
0xd: {  	s16 =	sadd.s32 s16, s6  }
0xe: {  	s16 =	sadd.s32 $0x0, s16  }
0xf: {  	s17 =	sshrl.u32 s16, $0x3  }
0x10: {  	s17 =	sadd.s32 s3, s17  }
0x11: {  	[tilespmem:s2], [sflag:$0x2] =	stream.linear.gather [hbm4b:s17+s2], $0x200, $0x38;
	[tilespmem:$0x10400] =	vst v63  }
0x12: {  	s16 =	sadd.s32 $0x800, s16;
	_ =	swait.ge [sflag:s8], $0x200  }
0x13: {  	s16 =	sshrl.u32 s16, $0x3;
	[sflag:s8] =	ssyncset.done $0x0  }
0x14: {  	s16 =	sadd.s32 s3, s16;
	[sflag:s8] =	ssyncadd.s32 $0xFFFFFE00  }
0x15: {  	[tilespmem:s9], [sflag:$0x2] =	stream.linear.gather [hbm4b:s16+s2], $0x200, $0x38;
	[tilespmem:$0x10400] =	vst v63  }
0x16: {  	_ =	swait.ge [sflag:s8], $0x200  }
0x17: {  	[sflag:s8] =	ssyncset.done $0x0  }
0x18: {  	[sflag:s8] =	ssyncadd.s32 $0xFFFFFE00  }
0x19: {  	[tilespmem:s10], [sflag:$0x1] =	stream.indirect.gather [hbm4b:s4+s9], $0x40, s2, s9, $0xb8;
	[tilespmem:$0x10400] =	vst v63  }
0x1a: {  	_ =	swait.ge [sflag:s11], $0x8000  }
0x1b: {  	[sflag:s11] =	ssyncset.done $0x0  }
0x1c: {  	[sflag:s11] =	ssyncadd.s32 $0xFFFF8000  }
0x1d: {  	[tilespmem:s12], [sflag:$0x1] =	stream.indirect.gather [hbm4b:s4+s9], $0x40, s9, s9, $0xb8;
	[tilespmem:$0x10400] =	vst v63  }
0x1e: {  	_ =	swait.ge [sflag:s11], $0x8000  }
0x1f: {  	[sflag:s11] =	ssyncset.done $0x0  }
0x20: {  	s30 =	sadd.s32 $0xFFFFFFF8, s7;
	[sflag:s11] =	ssyncadd.s32 $0xFFFF8000  }
0x21: {  	[hbm4b:s30+s13] =	stream.strided.scatter [tilespmem:s10], [sflag:$0x2], $0x8000, s14, s13, $0x38;
	[tilespmem:$0x10400] =	vst v63  }
0x22: {  	_ =	swait.ge [sflag:s8], $0x8000  }
0x23: {  	s17 =	sadd.s32 $0x200, s6;
	[sflag:s8] =	ssyncset.done $0x0  }
0x24: {  	s31 =	sand.u32 $0xFFFFF800, s17;
	[sflag:s8] =	ssyncadd.s32 $0xFFFF8000  }
0x25: {  	[hbm4b:s7+s13] =	stream.strided.scatter [tilespmem:s12], [sflag:$0x2], $0x8000, s14, s13, $0x38;
	[tilespmem:$0x10400] =	vst v63  }
0x26: {  	s19 =	simm.s32 $0x400;
	s16 =	sadd.s32 s31, s6;
	_ =	swait.ge [sflag:s8], $0x8000  }
0x27: {  	s18 =	sadd.s32 $0x200, s16;
	s16 =	sadd.s32 $0x2000, s7;
	[sflag:s8] =	ssyncset.done $0x0  }
.LBB2_2:
0x28: {  	s20 =	sshrl.u32 s18, $0x3  }
0x29: {  	[sflag:s8] =	ssyncadd.s32 $0xFFFF8000;
	s21 =	smov.u32 s19;
	s22 =	sadd.s32 $0x200, s19  }
0x2a: {  	p0 =	sne.s32 s19, $0x800;
	s19 =	sadd.s32 s3, s20  }
0x2b: {  	[tilespmem:s2], [sflag:$0x2] =	stream.linear.gather [hbm4b:s19+s2], $0x200, $0x38;
	[tilespmem:$0x10400] =	vst v63  }
0x2c: {  	s18 =	sadd.s32 $0x800, s18;
	_ =	swait.ge [sflag:s8], $0x200  }
0x2d: {  	s18 =	sshrl.u32 s18, $0x3;
	[sflag:s8] =	ssyncset.done $0x0  }
0x2e: {  	s18 =	sadd.s32 s3, s18;
	[sflag:s8] =	ssyncadd.s32 $0xFFFFFE00  }
0x2f: {  	[tilespmem:s9], [sflag:$0x2] =	stream.linear.gather [hbm4b:s18+s2], $0x200, $0x38;
	[tilespmem:$0x10400] =	vst v63  }
0x30: {  	_ =	swait.ge [sflag:s8], $0x200  }
0x31: {  	[sflag:s8] =	ssyncset.done $0x0  }
0x32: {  	[sflag:s8] =	ssyncadd.s32 $0xFFFFFE00  }
0x33: {  	[tilespmem:s10], [sflag:$0x1] =	stream.indirect.gather [hbm4b:s4+s9], $0x40, s2, s9, $0xb8;
	[tilespmem:$0x10400] =	vst v63  }
0x34: {  	_ =	swait.ge [sflag:s11], $0x8000  }
0x35: {  	[sflag:s11] =	ssyncset.done $0x0  }
0x36: {  	[sflag:s11] =	ssyncadd.s32 $0xFFFF8000  }
0x37: {  	[tilespmem:s12], [sflag:$0x1] =	stream.indirect.gather [hbm4b:s4+s9], $0x40, s9, s9, $0xb8;
	[tilespmem:$0x10400] =	vst v63  }
0x38: {  	_ =	swait.ge [sflag:s11], $0x8000  }
0x39: {  	[sflag:s11] =	ssyncset.done $0x0  }
0x3a: {  	s18 =	sadd.s32 $0xFFFFFFF8, s16;
	[sflag:s11] =	ssyncadd.s32 $0xFFFF8000  }
0x3b: {  	[hbm4b:s18+s13] =	stream.strided.scatter [tilespmem:s10], [sflag:$0x2], $0x8000, s14, s13, $0x38;
	[tilespmem:$0x10400] =	vst v63  }
0x3c: {  	_ =	swait.ge [sflag:s8], $0x8000  }
.Ltmp0:
0x3d: {  	s17 =	sadd.s32 $0x200, s17;
	[sflag:s8] =	ssyncset.done $0x0;
	(pc) =	sbr.rel @p0 .LBB2_2-.Ltmp0, $4  }
0x3e: {  	s18 =	sand.u32 $0xFFFFF800, s17;
	[sflag:s8] =	ssyncadd.s32 $0xFFFF8000  }
0x3f: {  	[hbm4b:s16+s13] =	stream.strided.scatter [tilespmem:s12], [sflag:$0x2], $0x8000, s14, s13, $0x38;
	[tilespmem:$0x10400] =	vst v63  }
0x40: {  	s19 =	smov.u32 s22;
	s18 =	sadd.s32 s18, s6;
	_ =	swait.ge [sflag:s8], $0x8000  }
0x41: {  	s18 =	sadd.s32 s18, s21;
	s16 =	sadd.s32 $0x2000, s16;
	[sflag:s8] =	ssyncset.done $0x0  }
0x42: {  	s17 =	sshrl.u32 s18, $0x3  }
0x43: {  	[sflag:s8] =	ssyncadd.s32 $0xFFFF8000;
	s17 =	sadd.s32 s3, s17  }
0x44: {  	[tilespmem:s2], [sflag:$0x2] =	stream.linear.gather [hbm4b:s17+s2], $0x200, $0x38;
	[tilespmem:$0x10400] =	vst v63  }
0x45: {  	s30 =	sadd.s32 $0x800, s18;
	_ =	swait.ge [sflag:s8], $0x200  }
0x46: {  	s17 =	sshrl.u32 s30, $0x3;
	[sflag:s8] =	ssyncset.done $0x0  }
0x47: {  	s17 =	sadd.s32 s3, s17;
	[sflag:s8] =	ssyncadd.s32 $0xFFFFFE00  }
0x48: {  	[tilespmem:s9], [sflag:$0x2] =	stream.linear.gather [hbm4b:s17+s2], $0x200, $0x38;
	[tilespmem:$0x10400] =	vst v63  }
0x49: {  	_ =	swait.ge [sflag:s8], $0x200  }
0x4a: {  	[sflag:s8] =	ssyncset.done $0x0  }
0x4b: {  	[sflag:s8] =	ssyncadd.s32 $0xFFFFFE00  }
0x4c: {  	[tilespmem:s10], [sflag:$0x1] =	stream.indirect.gather [hbm4b:s4+s9], $0x40, s2, s9, $0xb8;
	[tilespmem:$0x10400] =	vst v63  }
0x4d: {  	_ =	swait.ge [sflag:s11], $0x8000  }
0x4e: {  	[sflag:s11] =	ssyncset.done $0x0  }
0x4f: {  	[sflag:s11] =	ssyncadd.s32 $0xFFFF8000  }
0x50: {  	[tilespmem:s12], [sflag:$0x1] =	stream.indirect.gather [hbm4b:s4+s9], $0x40, s9, s9, $0xb8;
	[tilespmem:$0x10400] =	vst v63  }
0x51: {  	_ =	swait.ge [sflag:s11], $0x8000  }
0x52: {  	[sflag:s11] =	ssyncset.done $0x0  }
0x53: {  	s31 =	sadd.s32 $0xFFFFFFF8, s16;
	[sflag:s11] =	ssyncadd.s32 $0xFFFF8000  }
0x54: {  	[hbm4b:s31+s13] =	stream.strided.scatter [tilespmem:s10], [sflag:$0x2], $0x8000, s14, s13, $0x38;
	[tilespmem:$0x10400] =	vst v63  }
0x55: {  	s15 =	sadd.s32 $0x1, s15;
	_ =	swait.ge [sflag:s8], $0x8000  }
0x56: {  	p0 =	sne.s32 s15, s5;
	[sflag:s8] =	ssyncset.done $0x0  }
.Ltmp1:
0x57: {  	[sflag:s8] =	ssyncadd.s32 $0xFFFF8000;
	(pc) =	sbr.rel @p0 .LBB2_1-.Ltmp1, $4  }
0x58: {  	[hbm4b:s16+s13] =	stream.strided.scatter [tilespmem:s12], [sflag:$0x2], $0x8000, s14, s13, $0x38;
	[tilespmem:$0x10400] =	vst v63  }
0x59: {  	_ =	swait.ge [sflag:s8], $0x8000  }
0x5a: {  	[sflag:s8] =	ssyncset.done $0x0  }
0x5b: {  	[sflag:s8] =	ssyncadd.s32 $0xFFFF8000  }
0x5c: {  	_ =	sfence.sel $0x180000  }
0x5d: {  	[bflag:$0x0] =	sbarrier.arrive $0xFFFF  }
0x5e: {  	p0 =	sne.s32 s1, $0x0;
	_ =	strace $0x9000004A  }
0x5f: {  	s0 =	sadd.s32 @!p0 $0x100000, s0;
	[bflag:$0x2] =	sbarrier.arrive $0xFFFF  }
0x60: {  	[sflag:s0] =	ssyncadd.tile.s32 @!p0 $0x1;
	_ =	shalt  }
.Lfunc_end2:
_tile_overlayer_lowered:
.L_overlay_start_2:
0x61: {  	(tag) =	ssettag $0x2  }
0x62: {  	s0 =	rddreg [dreg:$0x0];
	s2 =	stileid.u32  }
0x63: {  	s1 =	rddreg [dreg:$0x1];
	p0 =	sne.s32 s2, $0x0  }
0x64: {  	s3 =	rddreg [dreg:$0x2];
	[bflag:$0x3] =	sbarrier.arrive $0xFFFF;
	s2 =	simm.s32 @!p0 $0x1C02  }
0x65: {  	[timem:s3], [sflag:s2] =	dma.local @!p0 [hbm:s0], s1  }
0x66: {  	s0 =	simm.s32 @!p0 $0x2  }
0x67: {  	_ =	swait.ge @!p0 [sflag:s0], s1  }
0x68: {  	s1 =	ssub.s32 @!p0 $0x0, s1;
	[sflag:s0] =	ssyncset.done @!p0 $0x0  }
0x69: {  	[sflag:s0] =	ssyncadd.s32 @!p0 s1  }
0x6a: {  	[bflag:$0x3] =	sbarrier.arrive $0xFFFF  }
0x6b: {  	_ =	shalt  }

// kernel: kernel.19.cloned.1.call-start
scs
__scs_entry_jumppad:
0x0: {  	(pc) =	sbr.rel $0x88, $3  }
0x1: {  	(tag) =	ssettag $0x0;
	lr =	simm.s32 $0x1  }
0x2: {  	[smem:$0x3F9B] =	sst lr;
	_ =	strace $0xD0000000  }
0x3: {  	_ = 	snop  }
0x4: {  	_ = 	snop  }
0x5: {  	_ = 	snop  }
0x6: {  	_ = 	snop  }
0x7: {  	_ = 	snop  }
__scs_overlays_trampoline_lowered:
0x8: {  	[smem:$0x3FAA] =	sst s0  }
0x9: {  	[smem:$0x3FAB] =	sst s1  }
0xa: {  	[smem:$0x3FAC] =	sst s2  }
0xb: {  	[smem:$0x3FAD] =	sst s3  }
0xc: {  	[smem:$0x3FAE] =	sst s4  }
0xd: {  	[smem:$0x3FAF] =	sst s5  }
0xe: {  	[smem:$0x3FB0] =	sst s6  }
0xf: {  	[smem:$0x3FB1] =	sst s7  }
0x10: {  	[smem:$0x3FB2] =	sst s8  }
0x11: {  	[smem:$0x3FB3] =	sst s9;
	s0 =	simm.s32 @!p0 $0x0  }
0x12: {  	s1 =	sld [smem:$0x3F99];
	s0 =	simm.s32 @p0 $0x1  }
0x13: {  	[smem:$0x3FB4] =	sst s0;
	s0 =	simm.s32 @!p1 $0x0  }
0x14: {  	s2 =	sld [smem:$0x3F98];
	s0 =	simm.s32 @p1 $0x1  }
0x15: {  	[smem:$0x3FB5] =	sst s0;
	s0 =	simm.s32 @!p2 $0x0  }
0x16: {  	s3 =	sld [smem:$0x3FDB];
	s0 =	simm.s32 @p2 $0x1  }
0x17: {  	s4 =	simm.s32 $0x1BF5;
	[smem:$0x3FB7] =	sst s0  }
0x18: {  	s0 =	sld [smem:$0x3F9A];
	_ =	swait.ge [sflag:s4], $0x0  }
0x19: {  	s7 =	sld [smem:$0x3F9B]  }
0x1a: {  	s8 =	sadd.s32 $0xFFFFE003, lr  }
0x1b: {  	s9 =	sadd.s32 $0xFFFFFEF7, lr;
	s5 =	simm.s32 $0xFFFFFFFF;
	p2 =	slt.u32 s8, $0xFFFFF086  }
0x1c: {  	p1 =	slt.u32 s9, $0xF7A;
	s5 =	simm.s32 @!p2 $0x0  }
0x1d: {  	s5 =	simm.s32 @p1 $0x1;
	p0 =	seq.s32 s7, s2  }
0x1e: {  	s7 =	smul.u32 @!p0 $0xF7A, s2;
	p2 =	seq.s32 @!p0 s5, $0x0  }
0x1f: {  	s9 =	smul.u32 $0xF7A, s1;
	s8 =	simm.s32 @!p0 $0x1BF5;
	p2 =	por !p2, p0  }
0x20: {  	[sflag:s8] =	ssyncset.s32 @!p0 $0xFFFFF086;
	s6 =	sadd.s32 @!p0 s3, s7;
	s7 =	simm.s32 @!p0 $0x108  }
0x21: {  	s3 =	sadd.s32 s3, s9;
	s6 =	sadd.s32 @!p0 $0x88, s6;
	s7 =	simm.s32 @p2 $0x1082  }
0x22: {  	[simem:s7], [sflag:s8] =	dma.local @!p0 [hbm:s6], $0xF7A  }
0x23: {  	s9 =	sor.u32 $0xD0000000, s2;
	s6 =	simm.s32 $0x108;
	_ =	swait.ge @!p0 [sflag:s8], $0x0  }
0x24: {  	s3 =	sadd.s32 $0x88, s3;
	s6 =	simm.s32 @!p1 $0x1082;
	[sflag:s4] =	ssyncset.s32 $0xFFFFF086  }
0x25: {  	[simem:s6], [sflag:s4] =	dma.local [hbm:s3], $0xF7A  }
0x26: {  	[smem:$0x3F9B] =	sst s1;
	(tag) =	ssettag s2;
	_ =	strace s9  }
0x27: {  	s1 =	sld [smem:$0x3FAB]  }
0x28: {  	s2 =	sld [smem:$0x3FAC]  }
0x29: {  	s4 =	sld [smem:$0x3FAE]  }
0x2a: {  	p0 =	seq.s32 s5, $0x0;
	s5 =	sld [smem:$0x3FAF]  }
0x2b: {  	s6 =	sld [smem:$0x3FB0]  }
0x2c: {  	s7 =	sld [smem:$0x3FB1]  }
0x2d: {  	s3 =	simm.s32 $0x108;
	s8 =	sld [smem:$0x3FB2]  }
0x2e: {  	s3 =	simm.s32 @!p0 $0x1082;
	s9 =	sld [smem:$0x3FB3]  }
0x2f: {  	lr =	sadd.s32 s0, s3;
	s0 =	sld [smem:$0x3FAA]  }
0x30: {  	s3 =	sld [smem:$0x3FAD]  }
0x31: {  	[smem:$0x3FB6] =	sst s10  }
0x32: {  	s10 =	sld [smem:$0x3FB4];
	_ =	sdelay $0x3  }
0x33: {  	p0 =	seq.s32 s10, $0x1;
	s10 =	sld [smem:$0x3FB6];
	_ =	sdelay $0x3  }
0x34: {  	[smem:$0x3FB6] =	sst s10  }
0x35: {  	s10 =	sld [smem:$0x3FB5];
	_ =	sdelay $0x3  }
0x36: {  	p1 =	seq.s32 s10, $0x1;
	s10 =	sld [smem:$0x3FB6];
	_ =	sdelay $0x3  }
0x37: {  	[smem:$0x3FB6] =	sst s10  }
0x38: {  	s10 =	sld [smem:$0x3FB7]  }
0x39: {  	_ = 	snop;
	(pc) =	sbr.ind lr, $3  }
0x3a: {  	_ = 	snop  }
0x3b: {  	_ = 	snop  }
0x3c: {  	p2 =	seq.s32 s10, $0x1;
	s10 =	sld [smem:$0x3FB6]  }
0x3d: {  	_ =	shalt  }
0x3e: {  	_ =	shalt  }
0x3f: {  	_ =	shalt  }
0x40: {  	_ =	shalt  }
0x41: {  	_ =	shalt  }
0x42: {  	_ =	shalt  }
0x43: {  	_ =	shalt  }
0x44: {  	_ =	shalt  }
0x45: {  	_ =	shalt  }
0x46: {  	_ =	shalt  }
0x47: {  	_ =	shalt  }
0x48: {  	_ =	shalt  }
0x49: {  	_ =	shalt  }
0x4a: {  	_ =	shalt  }
0x4b: {  	_ =	shalt  }
0x4c: {  	_ =	shalt  }
0x4d: {  	_ =	shalt  }
0x4e: {  	_ =	shalt  }
0x4f: {  	_ =	shalt  }
0x50: {  	_ =	shalt  }
0x51: {  	_ =	shalt  }
0x52: {  	_ =	shalt  }
0x53: {  	_ =	shalt  }
0x54: {  	_ =	shalt  }
0x55: {  	_ =	shalt  }
0x56: {  	_ =	shalt  }
0x57: {  	_ =	shalt  }
0x58: {  	_ =	shalt  }
0x59: {  	_ =	shalt  }
0x5a: {  	_ =	shalt  }
0x5b: {  	_ =	shalt  }
0x5c: {  	_ =	shalt  }
0x5d: {  	_ =	shalt  }
0x5e: {  	_ =	shalt  }
0x5f: {  	_ =	shalt  }
0x60: {  	_ =	shalt  }
0x61: {  	_ =	shalt  }
0x62: {  	_ =	shalt  }
0x63: {  	_ =	shalt  }
0x64: {  	_ =	shalt  }
0x65: {  	_ =	shalt  }
0x66: {  	_ =	shalt  }
0x67: {  	_ =	shalt  }
0x68: {  	_ =	shalt  }
0x69: {  	_ =	shalt  }
0x6a: {  	_ =	shalt  }
0x6b: {  	_ =	shalt  }
0x6c: {  	_ =	shalt  }
0x6d: {  	_ =	shalt  }
0x6e: {  	_ =	shalt  }
0x6f: {  	_ =	shalt  }
0x70: {  	_ =	shalt  }
0x71: {  	_ =	shalt  }
0x72: {  	_ =	shalt  }
0x73: {  	_ =	shalt  }
0x74: {  	_ =	shalt  }
0x75: {  	_ =	shalt  }
0x76: {  	_ =	shalt  }
0x77: {  	_ =	shalt  }
0x78: {  	_ =	shalt  }
0x79: {  	_ =	shalt  }
0x7a: {  	_ =	shalt  }
0x7b: {  	_ =	shalt  }
0x7c: {  	_ =	shalt  }
0x7d: {  	_ =	shalt  }
0x7e: {  	_ =	shalt  }
0x7f: {  	_ =	shalt  }
0x80: {  	_ =	shalt  }
0x81: {  	_ =	shalt  }
0x82: {  	_ =	shalt  }
0x83: {  	_ =	shalt  }
0x84: {  	_ =	shalt  }
0x85: {  	_ =	shalt  }
0x86: {  	_ =	shalt  }
0x87: {  	_ =	shalt  }
.Lfunc_end0:
.L_simem_size_0:
called_computation.2_lowered:
.L_overlay_start_0:
0x88: {  	s2 =	sld [smem:$0x3FD9]  }
0x89: {  	s3 =	sld [smem:$0x3FFE];
	_ =	sdelay $0x1  }
0x8a: {  	s1 =	srdreg.scid  }
0x8b: {  	s0 =	sand.u32 $0x1, s1  }
0x8c: {  	s17 =	sshll.u32 s0, $0xA;
	s2 =	sadd.s32 s3, s2  }
0x8d: {  	s2 =	sadd.s32 s2, s17  }
0x8e: {  	[smem:$0x3FC2] =	sst s2  }
0x8f: {  	_ = 	snop  }
0x90: {  	(tm) =	ssettm $0x1  }
0x91: {  	s18 =	sld [smem:$0x3FFB];
	_ =	sdelay $0x3  }
0x92: {  	_ =	strace s18  }
0x93: {  	s2 =	sld [smem:$0x3FFC];
	_ =	sdelay $0x3  }
0x94: {  	_ =	strace s2  }
0x95: {  	s2 =	sld [smem:$0x3FFD];
	_ =	sdelay $0x3  }
0x96: {  	_ =	strace s2  }
0x97: {  	_ =	strace $0x8FFFFFFF  }
0x98: {  	s19 =	sld [smem:$0x3FDB];
	_ =	sdelay $0x1  }
0x99: {  	s20 =	simm.s32 $_scs_section_size  }
0x9a: {  	s4 =	simm.s32 $_size__tile_overlayer_lowered;
	s5 =	simm.s32 $_tile_overlayer_lowered  }
0x9b: {  	s6 =	simm.s32 $0x1BFF;
	s21 =	sshll.u32 s5, $0x1;
	s3 =	sadd.s32 s20, s19  }
0x9c: {  	s22 =	simm.s32 $0x0;
	s4 =	sshll.u32 s4, $0x1;
	s5 =	sadd.s32 s21, s3  }
0x9d: {  	[timem:s22], [sflag:s6] =	dma.local [hbm:s5], s4  }
0x9e: {  	_ =	swait.ge [sflag:s6], s4  }
0x9f: {  	s4 =	ssub.s32 $0x0, s4;
	[sflag:s6] =	ssyncset.done $0x0  }
0xa0: {  	[sflag:s6] =	ssyncadd.s32 s4;
	_ =	sdelay $0x1  }
0xa1: {  	s23 =	simm.s32 $0x1B8B  }
0xa2: {  	_ =	swait.ge [sflag:s23], $0x1  }
0xa3: {  	[sflag:s23] =	ssyncset.done $0x0  }
0xa4: {  	[sflag:s23] =	ssyncadd.s32 $0xFFFFFFFF  }
0xa5: {  	s4 =	sld [smem:$0x0]  }
0xa6: {  	s5 =	sand.u32 $0xFFFFFFFE, s1  }
0xa7: {  	p0 =	sne.s32 s1, s5  }
0xa8: {  	s5 =	sshll.u32 @p0 s5, $0xE  }
0xa9: {  	s5 =	sadd.s32 @p0 $0x11B8D, s5;
	s6 =	sshll.u32 @p0 s4, $0x11  }
0xaa: {  	s5 =	sor.u32 @p0 s6, s5  }
0xab: {  	[sflag:s5] =	ssyncadd.remote.s32 @p0 $0x1;
	_ =	sdelay $0x1  }
0xac: {  	s5 =	simm.s32 @p0 $0x1B8D  }
0xad: {  	_ =	swait.eq @p0 [sflag:s5], $0x1  }
0xae: {  	[sflag:s5] =	ssyncadd.s32 @p0 $0xFFFFFFFF  }
0xaf: {  	s6 =	sshll.u32 @!p0 s1, $0xE  }
0xb0: {  	s6 =	sor.u32 @!p0 $0x4000, s6;
	s5 =	simm.s32 @!p0 $0x1B8D  }
0xb1: {  	s4 =	sshll.u32 @!p0 s4, $0x11;
	s6 =	sadd.s32 @!p0 $0x11B8D, s6;
	_ =	swait.eq @!p0 [sflag:s5], $0x1  }
0xb2: {  	s4 =	sor.u32 @!p0 s4, s6;
	[sflag:s5] =	ssyncadd.s32 @!p0 $0xFFFFFFFF  }
0xb3: {  	s25 =	simm.s32 $0x1B8E;
	s24 =	sld [smem:$0x3FFE];
	[sflag:s4] =	ssyncadd.remote.s32 @!p0 $0x1  }
0xb4: {  	s26 =	simm.s32 $execute0_lowered;
	[smem:$0x3FD2] =	sst s25  }
0xb5: {  	s5 =	sshll.u32 s26, $0x1;
	_ =	strace $0x8000004C;
	[dreg:$0x1] =	wrdreg $0xFFFFFFFF  }
0xb6: {  	s28 =	simm.s32 $_size_execute0_lowered;
	s3 =	sadd.s32 s3, s5;
	[dreg:$0x0] =	wrdreg $0x0  }
0xb7: {  	s5 =	sshll.u32 s28, $0x1;
	[dreg:$0x2] =	wrdreg s3  }
0xb8: {  	[dreg:$0x3] =	wrdreg s5  }
0xb9: {  	[dreg:$0x4] =	wrdreg $0xC0  }
0xba: {  	_ =	task [dreg:s22], $0x5FFFF  }
0xbb: {  	[dreg:$0x1] =	wrdreg $0xFFFFFFFF  }
0xbc: {  	[dreg:$0x0] =	wrdreg $0x60  }
0xbd: {  	[dreg:$0x2] =	wrdreg s24  }
0xbe: {  	[dreg:$0x3] =	wrdreg $0xB  }
0xbf: {  	_ =	task.clear_ibuf [dreg:s22], $0x4FFFF;
	_ =	strace $0x9000004C  }
0xc0: {  	s29 =	simm.s32 $0xB;
	_ =	strace $0x8000004E  }
0xc1: {  	_ =	swait.ge [sflag:s29], $0x1  }
0xc2: {  	[sflag:s29] =	ssyncadd.s32 $0xFFFFFFFF  }
0xc3: {  	_ =	strace $0x9000004E  }
0xc4: {  	_ =	sfence  }
0xc5: {  	s30 =	sld [smem:$0x0];
	_ =	sdelay $0x2  }
0xc6: {  	s31 =	sshll.u32 s1, $0xD;
	s1 =	sshrl.u32 s1, $0x2  }
0xc7: {  	s4 =	sand.u32 $0x4000, s31;
	s1 =	sadd.s32 s1, s30  }
0xc8: {  	s0 =	sor.u32 s4, s0;
	s1 =	sshll.u32 s1, $0x11  }
0xc9: {  	s0 =	sor.u32 s1, s0  }
0xca: {  	s0 =	sadd.s32 $0x8F2B, s0  }
0xcb: {  	[sflag:s0] =	ssyncadd.remote.s32 $0x1  }
0xcc: {  	_ =	sfence.sel $0xFFFF  }
0xcd: {  	[dreg:$0x0] =	wrdreg $0xFFFFFFFF;
	(pc) =	sbr.abs _section_cstart, $3  }
0xce: {  	[dreg:$0x1] =	wrdreg $0xFFFFFFFF  }
0xcf: {  	_ =	task.clear_ibuf [dreg:s22], $0x2FFFF;
	_ =	strace $0x9FFFFFFF  }
0xd0: {  	(tm) =	ssettm $0x7FFFFFFF  }
0xd1: {  	_ =	shalt  }
tec
execute0_lowered:
.L_overlay_start_1:
0x0: {  	(tag) =	ssettag $0x1  }
0x1: {  	s5 =	rddreg [dreg:$0x0]  }
0x2: {  	s0 =	rddreg [dreg:$0x1];
	s1 =	stileid.u32  }
0x3: {  	s2 =	simm.s32 $0x0;
	s3 =	srdreg.scid;
	s13 =	simm.s32 $0x40  }
0x4: {  	s14 =	simm.s32 $0x80;
	s15 =	simm.s32 $0x0;
	s6 =	smul.u32 $0x14000, s1  }
0x5: {  	[smem:$0x7FF] =	sst s2;
	s4 =	sand.u32 $0x1, s3;
	s7 =	smul.u32 $0x1400, s1  }
0x6: {  	s3 =	sadd.s32 $0x8FC800, s5;
	s8 =	ssub.s32 $0x2, s4;
	s9 =	smul.u32 $0xA00, s4  }
0x7: {  	_ =	strace $0x8000004D;
	s11 =	smul.u32 $0xA000, s4;
	s10 =	sshrl.u32 s8, $0x1  }
0x8: {  	s4 =	sadd.s32 $0x7600, s5;
	s12 =	sadd.s32 s6, s5;
	s30 =	ssub.s32 s8, s10  }
0x9: {  	s6 =	sadd.s32 s9, s7;
	s31 =	sadd.s32 s11, s12;
	s8 =	simm.s32 $0x2  }
0xa: {  	s9 =	simm.s32 $0x200;
	s10 =	simm.s32 $0x400;
	s11 =	simm.s32 $0x1  }
0xb: {  	s12 =	simm.s32 $0x8400;
	s5 =	smax.u32 s30, $0x1;
	s7 =	sadd.s32 $0xA4B808, s31  }
.LBB2_1:
0xc: {  	s16 =	sand.u32 $0xFFFFF800, s6  }
0xd: {  	s16 =	sadd.s32 s16, s6  }
0xe: {  	s16 =	sadd.s32 $0x0, s16  }
0xf: {  	s17 =	sshrl.u32 s16, $0x3  }
0x10: {  	s17 =	sadd.s32 s3, s17  }
0x11: {  	[tilespmem:s2], [sflag:$0x2] =	stream.linear.gather [hbm4b:s17+s2], $0x200, $0x38;
	[tilespmem:$0x10400] =	vst v63  }
0x12: {  	s16 =	sadd.s32 $0x800, s16;
	_ =	swait.ge [sflag:s8], $0x200  }
0x13: {  	s16 =	sshrl.u32 s16, $0x3;
	[sflag:s8] =	ssyncset.done $0x0  }
0x14: {  	s16 =	sadd.s32 s3, s16;
	[sflag:s8] =	ssyncadd.s32 $0xFFFFFE00  }
0x15: {  	[tilespmem:s9], [sflag:$0x2] =	stream.linear.gather [hbm4b:s16+s2], $0x200, $0x38;
	[tilespmem:$0x10400] =	vst v63  }
0x16: {  	_ =	swait.ge [sflag:s8], $0x200  }
0x17: {  	[sflag:s8] =	ssyncset.done $0x0  }
0x18: {  	[sflag:s8] =	ssyncadd.s32 $0xFFFFFE00  }
0x19: {  	[tilespmem:s10], [sflag:$0x1] =	stream.indirect.gather [hbm4b:s4+s9], $0x40, s2, s9, $0xb8;
	[tilespmem:$0x10400] =	vst v63  }
0x1a: {  	_ =	swait.ge [sflag:s11], $0x8000  }
0x1b: {  	[sflag:s11] =	ssyncset.done $0x0  }
0x1c: {  	[sflag:s11] =	ssyncadd.s32 $0xFFFF8000  }
0x1d: {  	[tilespmem:s12], [sflag:$0x1] =	stream.indirect.gather [hbm4b:s4+s9], $0x40, s9, s9, $0xb8;
	[tilespmem:$0x10400] =	vst v63  }
0x1e: {  	_ =	swait.ge [sflag:s11], $0x8000  }
0x1f: {  	[sflag:s11] =	ssyncset.done $0x0  }
0x20: {  	s30 =	sadd.s32 $0xFFFFFFF8, s7;
	[sflag:s11] =	ssyncadd.s32 $0xFFFF8000  }
0x21: {  	[hbm4b:s30+s13] =	stream.strided.scatter [tilespmem:s10], [sflag:$0x2], $0x8000, s14, s13, $0x38;
	[tilespmem:$0x10400] =	vst v63  }
0x22: {  	_ =	swait.ge [sflag:s8], $0x8000  }
0x23: {  	s17 =	sadd.s32 $0x200, s6;
	[sflag:s8] =	ssyncset.done $0x0  }
0x24: {  	s31 =	sand.u32 $0xFFFFF800, s17;
	[sflag:s8] =	ssyncadd.s32 $0xFFFF8000  }
0x25: {  	[hbm4b:s7+s13] =	stream.strided.scatter [tilespmem:s12], [sflag:$0x2], $0x8000, s14, s13, $0x38;
	[tilespmem:$0x10400] =	vst v63  }
0x26: {  	s19 =	simm.s32 $0x400;
	s16 =	sadd.s32 s31, s6;
	_ =	swait.ge [sflag:s8], $0x8000  }
0x27: {  	s18 =	sadd.s32 $0x200, s16;
	s16 =	sadd.s32 $0x2000, s7;
	[sflag:s8] =	ssyncset.done $0x0  }
.LBB2_2:
0x28: {  	s20 =	sshrl.u32 s18, $0x3  }
0x29: {  	[sflag:s8] =	ssyncadd.s32 $0xFFFF8000;
	s21 =	smov.u32 s19;
	s22 =	sadd.s32 $0x200, s19  }
0x2a: {  	p0 =	sne.s32 s19, $0x800;
	s19 =	sadd.s32 s3, s20  }
0x2b: {  	[tilespmem:s2], [sflag:$0x2] =	stream.linear.gather [hbm4b:s19+s2], $0x200, $0x38;
	[tilespmem:$0x10400] =	vst v63  }
0x2c: {  	s18 =	sadd.s32 $0x800, s18;
	_ =	swait.ge [sflag:s8], $0x200  }
0x2d: {  	s18 =	sshrl.u32 s18, $0x3;
	[sflag:s8] =	ssyncset.done $0x0  }
0x2e: {  	s18 =	sadd.s32 s3, s18;
	[sflag:s8] =	ssyncadd.s32 $0xFFFFFE00  }
0x2f: {  	[tilespmem:s9], [sflag:$0x2] =	stream.linear.gather [hbm4b:s18+s2], $0x200, $0x38;
	[tilespmem:$0x10400] =	vst v63  }
0x30: {  	_ =	swait.ge [sflag:s8], $0x200  }
0x31: {  	[sflag:s8] =	ssyncset.done $0x0  }
0x32: {  	[sflag:s8] =	ssyncadd.s32 $0xFFFFFE00  }
0x33: {  	[tilespmem:s10], [sflag:$0x1] =	stream.indirect.gather [hbm4b:s4+s9], $0x40, s2, s9, $0xb8;
	[tilespmem:$0x10400] =	vst v63  }
0x34: {  	_ =	swait.ge [sflag:s11], $0x8000  }
0x35: {  	[sflag:s11] =	ssyncset.done $0x0  }
0x36: {  	[sflag:s11] =	ssyncadd.s32 $0xFFFF8000  }
0x37: {  	[tilespmem:s12], [sflag:$0x1] =	stream.indirect.gather [hbm4b:s4+s9], $0x40, s9, s9, $0xb8;
	[tilespmem:$0x10400] =	vst v63  }
0x38: {  	_ =	swait.ge [sflag:s11], $0x8000  }
0x39: {  	[sflag:s11] =	ssyncset.done $0x0  }
0x3a: {  	s18 =	sadd.s32 $0xFFFFFFF8, s16;
	[sflag:s11] =	ssyncadd.s32 $0xFFFF8000  }
0x3b: {  	[hbm4b:s18+s13] =	stream.strided.scatter [tilespmem:s10], [sflag:$0x2], $0x8000, s14, s13, $0x38;
	[tilespmem:$0x10400] =	vst v63  }
0x3c: {  	_ =	swait.ge [sflag:s8], $0x8000  }
.Ltmp0:
0x3d: {  	s17 =	sadd.s32 $0x200, s17;
	[sflag:s8] =	ssyncset.done $0x0;
	(pc) =	sbr.rel @p0 .LBB2_2-.Ltmp0, $4  }
0x3e: {  	s18 =	sand.u32 $0xFFFFF800, s17;
	[sflag:s8] =	ssyncadd.s32 $0xFFFF8000  }
0x3f: {  	[hbm4b:s16+s13] =	stream.strided.scatter [tilespmem:s12], [sflag:$0x2], $0x8000, s14, s13, $0x38;
	[tilespmem:$0x10400] =	vst v63  }
0x40: {  	s19 =	smov.u32 s22;
	s18 =	sadd.s32 s18, s6;
	_ =	swait.ge [sflag:s8], $0x8000  }
0x41: {  	s18 =	sadd.s32 s18, s21;
	s16 =	sadd.s32 $0x2000, s16;
	[sflag:s8] =	ssyncset.done $0x0  }
0x42: {  	s17 =	sshrl.u32 s18, $0x3  }
0x43: {  	[sflag:s8] =	ssyncadd.s32 $0xFFFF8000;
	s17 =	sadd.s32 s3, s17  }
0x44: {  	[tilespmem:s2], [sflag:$0x2] =	stream.linear.gather [hbm4b:s17+s2], $0x200, $0x38;
	[tilespmem:$0x10400] =	vst v63  }
0x45: {  	s30 =	sadd.s32 $0x800, s18;
	_ =	swait.ge [sflag:s8], $0x200  }
0x46: {  	s17 =	sshrl.u32 s30, $0x3;
	[sflag:s8] =	ssyncset.done $0x0  }
0x47: {  	s17 =	sadd.s32 s3, s17;
	[sflag:s8] =	ssyncadd.s32 $0xFFFFFE00  }
0x48: {  	[tilespmem:s9], [sflag:$0x2] =	stream.linear.gather [hbm4b:s17+s2], $0x200, $0x38;
	[tilespmem:$0x10400] =	vst v63  }
0x49: {  	_ =	swait.ge [sflag:s8], $0x200  }
0x4a: {  	[sflag:s8] =	ssyncset.done $0x0  }
0x4b: {  	[sflag:s8] =	ssyncadd.s32 $0xFFFFFE00  }
0x4c: {  	[tilespmem:s10], [sflag:$0x1] =	stream.indirect.gather [hbm4b:s4+s9], $0x40, s2, s9, $0xb8;
	[tilespmem:$0x10400] =	vst v63  }
0x4d: {  	_ =	swait.ge [sflag:s11], $0x8000  }
0x4e: {  	[sflag:s11] =	ssyncset.done $0x0  }
0x4f: {  	[sflag:s11] =	ssyncadd.s32 $0xFFFF8000  }
0x50: {  	[tilespmem:s12], [sflag:$0x1] =	stream.indirect.gather [hbm4b:s4+s9], $0x40, s9, s9, $0xb8;
	[tilespmem:$0x10400] =	vst v63  }
0x51: {  	_ =	swait.ge [sflag:s11], $0x8000  }
0x52: {  	[sflag:s11] =	ssyncset.done $0x0  }
0x53: {  	s31 =	sadd.s32 $0xFFFFFFF8, s16;
	[sflag:s11] =	ssyncadd.s32 $0xFFFF8000  }
0x54: {  	[hbm4b:s31+s13] =	stream.strided.scatter [tilespmem:s10], [sflag:$0x2], $0x8000, s14, s13, $0x38;
	[tilespmem:$0x10400] =	vst v63  }
0x55: {  	s15 =	sadd.s32 $0x1, s15;
	_ =	swait.ge [sflag:s8], $0x8000  }
0x56: {  	p0 =	sne.s32 s15, s5;
	[sflag:s8] =	ssyncset.done $0x0  }
.Ltmp1:
0x57: {  	[sflag:s8] =	ssyncadd.s32 $0xFFFF8000;
	(pc) =	sbr.rel @p0 .LBB2_1-.Ltmp1, $4  }
0x58: {  	[hbm4b:s16+s13] =	stream.strided.scatter [tilespmem:s12], [sflag:$0x2], $0x8000, s14, s13, $0x38;
	[tilespmem:$0x10400] =	vst v63  }
0x59: {  	_ =	swait.ge [sflag:s8], $0x8000  }
0x5a: {  	[sflag:s8] =	ssyncset.done $0x0  }
0x5b: {  	[sflag:s8] =	ssyncadd.s32 $0xFFFF8000  }
0x5c: {  	_ =	sfence.sel $0x180000  }
0x5d: {  	[bflag:$0x0] =	sbarrier.arrive $0xFFFF  }
0x5e: {  	p0 =	sne.s32 s1, $0x0;
	_ =	strace $0x9000004D  }
0x5f: {  	s0 =	sadd.s32 @!p0 $0x100000, s0;
	[bflag:$0x2] =	sbarrier.arrive $0xFFFF  }
0x60: {  	[sflag:s0] =	ssyncadd.tile.s32 @!p0 $0x1;
	_ =	shalt  }
.Lfunc_end2:
_tile_overlayer_lowered:
.L_overlay_start_2:
0x61: {  	(tag) =	ssettag $0x2  }
0x62: {  	s0 =	rddreg [dreg:$0x0];
	s2 =	stileid.u32  }
0x63: {  	s1 =	rddreg [dreg:$0x1];
	p0 =	sne.s32 s2, $0x0  }
0x64: {  	s3 =	rddreg [dreg:$0x2];
	[bflag:$0x3] =	sbarrier.arrive $0xFFFF;
	s2 =	simm.s32 @!p0 $0x1C02  }
0x65: {  	[timem:s3], [sflag:s2] =	dma.local @!p0 [hbm:s0], s1  }
0x66: {  	s0 =	simm.s32 @!p0 $0x2  }
0x67: {  	_ =	swait.ge @!p0 [sflag:s0], s1  }
0x68: {  	s1 =	ssub.s32 @!p0 $0x0, s1;
	[sflag:s0] =	ssyncset.done @!p0 $0x0  }
0x69: {  	[sflag:s0] =	ssyncadd.s32 @!p0 s1  }
0x6a: {  	[bflag:$0x3] =	sbarrier.arrive $0xFFFF  }
0x6b: {  	_ =	shalt  }

// kernel: kernel.22.cloned.1.call-start
scs
__scs_entry_jumppad:
0x0: {  	(pc) =	sbr.rel $0x88, $3  }
0x1: {  	(tag) =	ssettag $0x0;
	lr =	simm.s32 $0x1  }
0x2: {  	[smem:$0x3F9B] =	sst lr;
	_ =	strace $0xD0000000  }
0x3: {  	_ = 	snop  }
0x4: {  	_ = 	snop  }
0x5: {  	_ = 	snop  }
0x6: {  	_ = 	snop  }
0x7: {  	_ = 	snop  }
__scs_overlays_trampoline_lowered:
0x8: {  	[smem:$0x3FAA] =	sst s0  }
0x9: {  	[smem:$0x3FAB] =	sst s1  }
0xa: {  	[smem:$0x3FAC] =	sst s2  }
0xb: {  	[smem:$0x3FAD] =	sst s3  }
0xc: {  	[smem:$0x3FAE] =	sst s4  }
0xd: {  	[smem:$0x3FAF] =	sst s5  }
0xe: {  	[smem:$0x3FB0] =	sst s6  }
0xf: {  	[smem:$0x3FB1] =	sst s7  }
0x10: {  	[smem:$0x3FB2] =	sst s8  }
0x11: {  	[smem:$0x3FB3] =	sst s9;
	s0 =	simm.s32 @!p0 $0x0  }
0x12: {  	s1 =	sld [smem:$0x3F99];
	s0 =	simm.s32 @p0 $0x1  }
0x13: {  	[smem:$0x3FB4] =	sst s0;
	s0 =	simm.s32 @!p1 $0x0  }
0x14: {  	s2 =	sld [smem:$0x3F98];
	s0 =	simm.s32 @p1 $0x1  }
0x15: {  	[smem:$0x3FB5] =	sst s0;
	s0 =	simm.s32 @!p2 $0x0  }
0x16: {  	s3 =	sld [smem:$0x3FDB];
	s0 =	simm.s32 @p2 $0x1  }
0x17: {  	s4 =	simm.s32 $0x1BF5;
	[smem:$0x3FB7] =	sst s0  }
0x18: {  	s0 =	sld [smem:$0x3F9A];
	_ =	swait.ge [sflag:s4], $0x0  }
0x19: {  	s7 =	sld [smem:$0x3F9B]  }
0x1a: {  	s8 =	sadd.s32 $0xFFFFE003, lr  }
0x1b: {  	s9 =	sadd.s32 $0xFFFFFEF7, lr;
	s5 =	simm.s32 $0xFFFFFFFF;
	p2 =	slt.u32 s8, $0xFFFFF086  }
0x1c: {  	p1 =	slt.u32 s9, $0xF7A;
	s5 =	simm.s32 @!p2 $0x0  }
0x1d: {  	s5 =	simm.s32 @p1 $0x1;
	p0 =	seq.s32 s7, s2  }
0x1e: {  	s7 =	smul.u32 @!p0 $0xF7A, s2;
	p2 =	seq.s32 @!p0 s5, $0x0  }
0x1f: {  	s9 =	smul.u32 $0xF7A, s1;
	s8 =	simm.s32 @!p0 $0x1BF5;
	p2 =	por !p2, p0  }
0x20: {  	[sflag:s8] =	ssyncset.s32 @!p0 $0xFFFFF086;
	s6 =	sadd.s32 @!p0 s3, s7;
	s7 =	simm.s32 @!p0 $0x108  }
0x21: {  	s3 =	sadd.s32 s3, s9;
	s6 =	sadd.s32 @!p0 $0x88, s6;
	s7 =	simm.s32 @p2 $0x1082  }
0x22: {  	[simem:s7], [sflag:s8] =	dma.local @!p0 [hbm:s6], $0xF7A  }
0x23: {  	s9 =	sor.u32 $0xD0000000, s2;
	s6 =	simm.s32 $0x108;
	_ =	swait.ge @!p0 [sflag:s8], $0x0  }
0x24: {  	s3 =	sadd.s32 $0x88, s3;
	s6 =	simm.s32 @!p1 $0x1082;
	[sflag:s4] =	ssyncset.s32 $0xFFFFF086  }
0x25: {  	[simem:s6], [sflag:s4] =	dma.local [hbm:s3], $0xF7A  }
0x26: {  	[smem:$0x3F9B] =	sst s1;
	(tag) =	ssettag s2;
	_ =	strace s9  }
0x27: {  	s1 =	sld [smem:$0x3FAB]  }
0x28: {  	s2 =	sld [smem:$0x3FAC]  }
0x29: {  	s4 =	sld [smem:$0x3FAE]  }
0x2a: {  	p0 =	seq.s32 s5, $0x0;
	s5 =	sld [smem:$0x3FAF]  }
0x2b: {  	s6 =	sld [smem:$0x3FB0]  }
0x2c: {  	s7 =	sld [smem:$0x3FB1]  }
0x2d: {  	s3 =	simm.s32 $0x108;
	s8 =	sld [smem:$0x3FB2]  }
0x2e: {  	s3 =	simm.s32 @!p0 $0x1082;
	s9 =	sld [smem:$0x3FB3]  }
0x2f: {  	lr =	sadd.s32 s0, s3;
	s0 =	sld [smem:$0x3FAA]  }
0x30: {  	s3 =	sld [smem:$0x3FAD]  }
0x31: {  	[smem:$0x3FB6] =	sst s10  }
0x32: {  	s10 =	sld [smem:$0x3FB4];
	_ =	sdelay $0x3  }
0x33: {  	p0 =	seq.s32 s10, $0x1;
	s10 =	sld [smem:$0x3FB6];
	_ =	sdelay $0x3  }
0x34: {  	[smem:$0x3FB6] =	sst s10  }
0x35: {  	s10 =	sld [smem:$0x3FB5];
	_ =	sdelay $0x3  }
0x36: {  	p1 =	seq.s32 s10, $0x1;
	s10 =	sld [smem:$0x3FB6];
	_ =	sdelay $0x3  }
0x37: {  	[smem:$0x3FB6] =	sst s10  }
0x38: {  	s10 =	sld [smem:$0x3FB7]  }
0x39: {  	_ = 	snop;
	(pc) =	sbr.ind lr, $3  }
0x3a: {  	_ = 	snop  }
0x3b: {  	_ = 	snop  }
0x3c: {  	p2 =	seq.s32 s10, $0x1;
	s10 =	sld [smem:$0x3FB6]  }
0x3d: {  	_ =	shalt  }
0x3e: {  	_ =	shalt  }
0x3f: {  	_ =	shalt  }
0x40: {  	_ =	shalt  }
0x41: {  	_ =	shalt  }
0x42: {  	_ =	shalt  }
0x43: {  	_ =	shalt  }
0x44: {  	_ =	shalt  }
0x45: {  	_ =	shalt  }
0x46: {  	_ =	shalt  }
0x47: {  	_ =	shalt  }
0x48: {  	_ =	shalt  }
0x49: {  	_ =	shalt  }
0x4a: {  	_ =	shalt  }
0x4b: {  	_ =	shalt  }
0x4c: {  	_ =	shalt  }
0x4d: {  	_ =	shalt  }
0x4e: {  	_ =	shalt  }
0x4f: {  	_ =	shalt  }
0x50: {  	_ =	shalt  }
0x51: {  	_ =	shalt  }
0x52: {  	_ =	shalt  }
0x53: {  	_ =	shalt  }
0x54: {  	_ =	shalt  }
0x55: {  	_ =	shalt  }
0x56: {  	_ =	shalt  }
0x57: {  	_ =	shalt  }
0x58: {  	_ =	shalt  }
0x59: {  	_ =	shalt  }
0x5a: {  	_ =	shalt  }
0x5b: {  	_ =	shalt  }
0x5c: {  	_ =	shalt  }
0x5d: {  	_ =	shalt  }
0x5e: {  	_ =	shalt  }
0x5f: {  	_ =	shalt  }
0x60: {  	_ =	shalt  }
0x61: {  	_ =	shalt  }
0x62: {  	_ =	shalt  }
0x63: {  	_ =	shalt  }
0x64: {  	_ =	shalt  }
0x65: {  	_ =	shalt  }
0x66: {  	_ =	shalt  }
0x67: {  	_ =	shalt  }
0x68: {  	_ =	shalt  }
0x69: {  	_ =	shalt  }
0x6a: {  	_ =	shalt  }
0x6b: {  	_ =	shalt  }
0x6c: {  	_ =	shalt  }
0x6d: {  	_ =	shalt  }
0x6e: {  	_ =	shalt  }
0x6f: {  	_ =	shalt  }
0x70: {  	_ =	shalt  }
0x71: {  	_ =	shalt  }
0x72: {  	_ =	shalt  }
0x73: {  	_ =	shalt  }
0x74: {  	_ =	shalt  }
0x75: {  	_ =	shalt  }
0x76: {  	_ =	shalt  }
0x77: {  	_ =	shalt  }
0x78: {  	_ =	shalt  }
0x79: {  	_ =	shalt  }
0x7a: {  	_ =	shalt  }
0x7b: {  	_ =	shalt  }
0x7c: {  	_ =	shalt  }
0x7d: {  	_ =	shalt  }
0x7e: {  	_ =	shalt  }
0x7f: {  	_ =	shalt  }
0x80: {  	_ =	shalt  }
0x81: {  	_ =	shalt  }
0x82: {  	_ =	shalt  }
0x83: {  	_ =	shalt  }
0x84: {  	_ =	shalt  }
0x85: {  	_ =	shalt  }
0x86: {  	_ =	shalt  }
0x87: {  	_ =	shalt  }
.Lfunc_end0:
.L_simem_size_0:
called_computation.3_lowered:
.L_overlay_start_0:
0x88: {  	s2 =	sld [smem:$0x3FD9]  }
0x89: {  	s3 =	sld [smem:$0x3FFE];
	_ =	sdelay $0x1  }
0x8a: {  	s1 =	srdreg.scid  }
0x8b: {  	s0 =	sand.u32 $0x1, s1  }
0x8c: {  	s17 =	sshll.u32 s0, $0xA;
	s2 =	sadd.s32 s3, s2  }
0x8d: {  	s2 =	sadd.s32 s2, s17  }
0x8e: {  	[smem:$0x3FC2] =	sst s2  }
0x8f: {  	_ = 	snop  }
0x90: {  	(tm) =	ssettm $0x1  }
0x91: {  	s18 =	sld [smem:$0x3FFB];
	_ =	sdelay $0x3  }
0x92: {  	_ =	strace s18  }
0x93: {  	s2 =	sld [smem:$0x3FFC];
	_ =	sdelay $0x3  }
0x94: {  	_ =	strace s2  }
0x95: {  	s2 =	sld [smem:$0x3FFD];
	_ =	sdelay $0x3  }
0x96: {  	_ =	strace s2  }
0x97: {  	_ =	strace $0x8FFFFFFF  }
0x98: {  	s19 =	sld [smem:$0x3FDB];
	_ =	sdelay $0x1  }
0x99: {  	s20 =	simm.s32 $_scs_section_size  }
0x9a: {  	s4 =	simm.s32 $_size__tile_overlayer_lowered;
	s5 =	simm.s32 $_tile_overlayer_lowered  }
0x9b: {  	s6 =	simm.s32 $0x1BFF;
	s21 =	sshll.u32 s5, $0x1;
	s3 =	sadd.s32 s20, s19  }
0x9c: {  	s22 =	simm.s32 $0x0;
	s4 =	sshll.u32 s4, $0x1;
	s5 =	sadd.s32 s21, s3  }
0x9d: {  	[timem:s22], [sflag:s6] =	dma.local [hbm:s5], s4  }
0x9e: {  	_ =	swait.ge [sflag:s6], s4  }
0x9f: {  	s4 =	ssub.s32 $0x0, s4;
	[sflag:s6] =	ssyncset.done $0x0  }
0xa0: {  	[sflag:s6] =	ssyncadd.s32 s4;
	_ =	sdelay $0x1  }
0xa1: {  	s23 =	simm.s32 $0x1B8B  }
0xa2: {  	_ =	swait.ge [sflag:s23], $0x1  }
0xa3: {  	[sflag:s23] =	ssyncset.done $0x0  }
0xa4: {  	[sflag:s23] =	ssyncadd.s32 $0xFFFFFFFF  }
0xa5: {  	s4 =	sld [smem:$0x0]  }
0xa6: {  	s5 =	sand.u32 $0xFFFFFFFE, s1  }
0xa7: {  	p0 =	sne.s32 s1, s5  }
0xa8: {  	s5 =	sshll.u32 @p0 s5, $0xE  }
0xa9: {  	s5 =	sadd.s32 @p0 $0x11B8D, s5;
	s6 =	sshll.u32 @p0 s4, $0x11  }
0xaa: {  	s5 =	sor.u32 @p0 s6, s5  }
0xab: {  	[sflag:s5] =	ssyncadd.remote.s32 @p0 $0x1;
	_ =	sdelay $0x1  }
0xac: {  	s5 =	simm.s32 @p0 $0x1B8D  }
0xad: {  	_ =	swait.eq @p0 [sflag:s5], $0x1  }
0xae: {  	[sflag:s5] =	ssyncadd.s32 @p0 $0xFFFFFFFF  }
0xaf: {  	s6 =	sshll.u32 @!p0 s1, $0xE  }
0xb0: {  	s6 =	sor.u32 @!p0 $0x4000, s6;
	s5 =	simm.s32 @!p0 $0x1B8D  }
0xb1: {  	s4 =	sshll.u32 @!p0 s4, $0x11;
	s6 =	sadd.s32 @!p0 $0x11B8D, s6;
	_ =	swait.eq @!p0 [sflag:s5], $0x1  }
0xb2: {  	s4 =	sor.u32 @!p0 s4, s6;
	[sflag:s5] =	ssyncadd.s32 @!p0 $0xFFFFFFFF  }
0xb3: {  	s25 =	simm.s32 $0x1B8E;
	s24 =	sld [smem:$0x3FFE];
	[sflag:s4] =	ssyncadd.remote.s32 @!p0 $0x1  }
0xb4: {  	s26 =	simm.s32 $execute0_lowered;
	[smem:$0x3FD2] =	sst s25  }
0xb5: {  	s5 =	sshll.u32 s26, $0x1;
	_ =	strace $0x8000004F;
	[dreg:$0x1] =	wrdreg $0xFFFFFFFF  }
0xb6: {  	s28 =	simm.s32 $_size_execute0_lowered;
	s3 =	sadd.s32 s3, s5;
	[dreg:$0x0] =	wrdreg $0x0  }
0xb7: {  	s5 =	sshll.u32 s28, $0x1;
	[dreg:$0x2] =	wrdreg s3  }
0xb8: {  	[dreg:$0x3] =	wrdreg s5  }
0xb9: {  	[dreg:$0x4] =	wrdreg $0xC0  }
0xba: {  	_ =	task [dreg:s22], $0x5FFFF  }
0xbb: {  	[dreg:$0x1] =	wrdreg $0xFFFFFFFF  }
0xbc: {  	[dreg:$0x0] =	wrdreg $0x60  }
0xbd: {  	[dreg:$0x2] =	wrdreg s24  }
0xbe: {  	[dreg:$0x3] =	wrdreg $0xC  }
0xbf: {  	_ =	task.clear_ibuf [dreg:s22], $0x4FFFF;
	_ =	strace $0x9000004F  }
0xc0: {  	s29 =	simm.s32 $0xC;
	_ =	strace $0x80000051  }
0xc1: {  	_ =	swait.ge [sflag:s29], $0x1  }
0xc2: {  	[sflag:s29] =	ssyncadd.s32 $0xFFFFFFFF  }
0xc3: {  	_ =	strace $0x90000051  }
0xc4: {  	_ =	sfence  }
0xc5: {  	s30 =	sld [smem:$0x0];
	_ =	sdelay $0x2  }
0xc6: {  	s31 =	sshll.u32 s1, $0xD;
	s1 =	sshrl.u32 s1, $0x2  }
0xc7: {  	s4 =	sand.u32 $0x4000, s31;
	s1 =	sadd.s32 s1, s30  }
0xc8: {  	s0 =	sor.u32 s4, s0;
	s1 =	sshll.u32 s1, $0x11  }
0xc9: {  	s0 =	sor.u32 s1, s0  }
0xca: {  	s0 =	sadd.s32 $0x8F2B, s0  }
0xcb: {  	[sflag:s0] =	ssyncadd.remote.s32 $0x1  }
0xcc: {  	_ =	sfence.sel $0xFFFF  }
0xcd: {  	[dreg:$0x0] =	wrdreg $0xFFFFFFFF;
	(pc) =	sbr.abs _section_cstart, $3  }
0xce: {  	[dreg:$0x1] =	wrdreg $0xFFFFFFFF  }
0xcf: {  	_ =	task.clear_ibuf [dreg:s22], $0x2FFFF;
	_ =	strace $0x9FFFFFFF  }
0xd0: {  	(tm) =	ssettm $0x7FFFFFFF  }
0xd1: {  	_ =	shalt  }
tec
execute0_lowered:
.L_overlay_start_1:
0x0: {  	(tag) =	ssettag $0x1  }
0x1: {  	s5 =	rddreg [dreg:$0x0]  }
0x2: {  	s0 =	rddreg [dreg:$0x1];
	s1 =	stileid.u32  }
0x3: {  	s2 =	simm.s32 $0x0;
	s3 =	srdreg.scid;
	s13 =	simm.s32 $0x40  }
0x4: {  	s14 =	simm.s32 $0x80;
	s15 =	simm.s32 $0x0;
	s6 =	smul.u32 $0x14000, s1  }
0x5: {  	[smem:$0x7FF] =	sst s2;
	s4 =	sand.u32 $0x1, s3;
	s7 =	smul.u32 $0x1400, s1  }
0x6: {  	s3 =	sadd.s32 $0x901800, s5;
	s8 =	ssub.s32 $0x2, s4;
	s9 =	smul.u32 $0xA00, s4  }
0x7: {  	_ =	strace $0x80000050;
	s11 =	smul.u32 $0xA000, s4;
	s10 =	sshrl.u32 s8, $0x1  }
0x8: {  	s4 =	sadd.s32 $0x7600, s5;
	s12 =	sadd.s32 s6, s5;
	s30 =	ssub.s32 s8, s10  }
0x9: {  	s6 =	sadd.s32 s9, s7;
	s31 =	sadd.s32 s11, s12;
	s8 =	simm.s32 $0x2  }
0xa: {  	s9 =	simm.s32 $0x200;
	s10 =	simm.s32 $0x400;
	s11 =	simm.s32 $0x1  }
0xb: {  	s12 =	simm.s32 $0x8400;
	s5 =	smax.u32 s30, $0x1;
	s7 =	sadd.s32 $0xB8B808, s31  }
.LBB2_1:
0xc: {  	s16 =	sand.u32 $0xFFFFF800, s6  }
0xd: {  	s16 =	sadd.s32 s16, s6  }
0xe: {  	s16 =	sadd.s32 $0x0, s16  }
0xf: {  	s17 =	sshrl.u32 s16, $0x3  }
0x10: {  	s17 =	sadd.s32 s3, s17  }
0x11: {  	[tilespmem:s2], [sflag:$0x2] =	stream.linear.gather [hbm4b:s17+s2], $0x200, $0x38;
	[tilespmem:$0x10400] =	vst v63  }
0x12: {  	s16 =	sadd.s32 $0x800, s16;
	_ =	swait.ge [sflag:s8], $0x200  }
0x13: {  	s16 =	sshrl.u32 s16, $0x3;
	[sflag:s8] =	ssyncset.done $0x0  }
0x14: {  	s16 =	sadd.s32 s3, s16;
	[sflag:s8] =	ssyncadd.s32 $0xFFFFFE00  }
0x15: {  	[tilespmem:s9], [sflag:$0x2] =	stream.linear.gather [hbm4b:s16+s2], $0x200, $0x38;
	[tilespmem:$0x10400] =	vst v63  }
0x16: {  	_ =	swait.ge [sflag:s8], $0x200  }
0x17: {  	[sflag:s8] =	ssyncset.done $0x0  }
0x18: {  	[sflag:s8] =	ssyncadd.s32 $0xFFFFFE00  }
0x19: {  	[tilespmem:s10], [sflag:$0x1] =	stream.indirect.gather [hbm4b:s4+s9], $0x40, s2, s9, $0xb8;
	[tilespmem:$0x10400] =	vst v63  }
0x1a: {  	_ =	swait.ge [sflag:s11], $0x8000  }
0x1b: {  	[sflag:s11] =	ssyncset.done $0x0  }
0x1c: {  	[sflag:s11] =	ssyncadd.s32 $0xFFFF8000  }
0x1d: {  	[tilespmem:s12], [sflag:$0x1] =	stream.indirect.gather [hbm4b:s4+s9], $0x40, s9, s9, $0xb8;
	[tilespmem:$0x10400] =	vst v63  }
0x1e: {  	_ =	swait.ge [sflag:s11], $0x8000  }
0x1f: {  	[sflag:s11] =	ssyncset.done $0x0  }
0x20: {  	s30 =	sadd.s32 $0xFFFFFFF8, s7;
	[sflag:s11] =	ssyncadd.s32 $0xFFFF8000  }
0x21: {  	[hbm4b:s30+s13] =	stream.strided.scatter [tilespmem:s10], [sflag:$0x2], $0x8000, s14, s13, $0x38;
	[tilespmem:$0x10400] =	vst v63  }
0x22: {  	_ =	swait.ge [sflag:s8], $0x8000  }
0x23: {  	s17 =	sadd.s32 $0x200, s6;
	[sflag:s8] =	ssyncset.done $0x0  }
0x24: {  	s31 =	sand.u32 $0xFFFFF800, s17;
	[sflag:s8] =	ssyncadd.s32 $0xFFFF8000  }
0x25: {  	[hbm4b:s7+s13] =	stream.strided.scatter [tilespmem:s12], [sflag:$0x2], $0x8000, s14, s13, $0x38;
	[tilespmem:$0x10400] =	vst v63  }
0x26: {  	s19 =	simm.s32 $0x400;
	s16 =	sadd.s32 s31, s6;
	_ =	swait.ge [sflag:s8], $0x8000  }
0x27: {  	s18 =	sadd.s32 $0x200, s16;
	s16 =	sadd.s32 $0x2000, s7;
	[sflag:s8] =	ssyncset.done $0x0  }
.LBB2_2:
0x28: {  	s20 =	sshrl.u32 s18, $0x3  }
0x29: {  	[sflag:s8] =	ssyncadd.s32 $0xFFFF8000;
	s21 =	smov.u32 s19;
	s22 =	sadd.s32 $0x200, s19  }
0x2a: {  	p0 =	sne.s32 s19, $0x800;
	s19 =	sadd.s32 s3, s20  }
0x2b: {  	[tilespmem:s2], [sflag:$0x2] =	stream.linear.gather [hbm4b:s19+s2], $0x200, $0x38;
	[tilespmem:$0x10400] =	vst v63  }
0x2c: {  	s18 =	sadd.s32 $0x800, s18;
	_ =	swait.ge [sflag:s8], $0x200  }
0x2d: {  	s18 =	sshrl.u32 s18, $0x3;
	[sflag:s8] =	ssyncset.done $0x0  }
0x2e: {  	s18 =	sadd.s32 s3, s18;
	[sflag:s8] =	ssyncadd.s32 $0xFFFFFE00  }
0x2f: {  	[tilespmem:s9], [sflag:$0x2] =	stream.linear.gather [hbm4b:s18+s2], $0x200, $0x38;
	[tilespmem:$0x10400] =	vst v63  }
0x30: {  	_ =	swait.ge [sflag:s8], $0x200  }
0x31: {  	[sflag:s8] =	ssyncset.done $0x0  }
0x32: {  	[sflag:s8] =	ssyncadd.s32 $0xFFFFFE00  }
0x33: {  	[tilespmem:s10], [sflag:$0x1] =	stream.indirect.gather [hbm4b:s4+s9], $0x40, s2, s9, $0xb8;
	[tilespmem:$0x10400] =	vst v63  }
0x34: {  	_ =	swait.ge [sflag:s11], $0x8000  }
0x35: {  	[sflag:s11] =	ssyncset.done $0x0  }
0x36: {  	[sflag:s11] =	ssyncadd.s32 $0xFFFF8000  }
0x37: {  	[tilespmem:s12], [sflag:$0x1] =	stream.indirect.gather [hbm4b:s4+s9], $0x40, s9, s9, $0xb8;
	[tilespmem:$0x10400] =	vst v63  }
0x38: {  	_ =	swait.ge [sflag:s11], $0x8000  }
0x39: {  	[sflag:s11] =	ssyncset.done $0x0  }
0x3a: {  	s18 =	sadd.s32 $0xFFFFFFF8, s16;
	[sflag:s11] =	ssyncadd.s32 $0xFFFF8000  }
0x3b: {  	[hbm4b:s18+s13] =	stream.strided.scatter [tilespmem:s10], [sflag:$0x2], $0x8000, s14, s13, $0x38;
	[tilespmem:$0x10400] =	vst v63  }
0x3c: {  	_ =	swait.ge [sflag:s8], $0x8000  }
.Ltmp0:
0x3d: {  	s17 =	sadd.s32 $0x200, s17;
	[sflag:s8] =	ssyncset.done $0x0;
	(pc) =	sbr.rel @p0 .LBB2_2-.Ltmp0, $4  }
0x3e: {  	s18 =	sand.u32 $0xFFFFF800, s17;
	[sflag:s8] =	ssyncadd.s32 $0xFFFF8000  }
0x3f: {  	[hbm4b:s16+s13] =	stream.strided.scatter [tilespmem:s12], [sflag:$0x2], $0x8000, s14, s13, $0x38;
	[tilespmem:$0x10400] =	vst v63  }
0x40: {  	s19 =	smov.u32 s22;
	s18 =	sadd.s32 s18, s6;
	_ =	swait.ge [sflag:s8], $0x8000  }
0x41: {  	s18 =	sadd.s32 s18, s21;
	s16 =	sadd.s32 $0x2000, s16;
	[sflag:s8] =	ssyncset.done $0x0  }
0x42: {  	s17 =	sshrl.u32 s18, $0x3  }
0x43: {  	[sflag:s8] =	ssyncadd.s32 $0xFFFF8000;
	s17 =	sadd.s32 s3, s17  }
0x44: {  	[tilespmem:s2], [sflag:$0x2] =	stream.linear.gather [hbm4b:s17+s2], $0x200, $0x38;
	[tilespmem:$0x10400] =	vst v63  }
0x45: {  	s30 =	sadd.s32 $0x800, s18;
	_ =	swait.ge [sflag:s8], $0x200  }
0x46: {  	s17 =	sshrl.u32 s30, $0x3;
	[sflag:s8] =	ssyncset.done $0x0  }
0x47: {  	s17 =	sadd.s32 s3, s17;
	[sflag:s8] =	ssyncadd.s32 $0xFFFFFE00  }
0x48: {  	[tilespmem:s9], [sflag:$0x2] =	stream.linear.gather [hbm4b:s17+s2], $0x200, $0x38;
	[tilespmem:$0x10400] =	vst v63  }
0x49: {  	_ =	swait.ge [sflag:s8], $0x200  }
0x4a: {  	[sflag:s8] =	ssyncset.done $0x0  }
0x4b: {  	[sflag:s8] =	ssyncadd.s32 $0xFFFFFE00  }
0x4c: {  	[tilespmem:s10], [sflag:$0x1] =	stream.indirect.gather [hbm4b:s4+s9], $0x40, s2, s9, $0xb8;
	[tilespmem:$0x10400] =	vst v63  }
0x4d: {  	_ =	swait.ge [sflag:s11], $0x8000  }
0x4e: {  	[sflag:s11] =	ssyncset.done $0x0  }
0x4f: {  	[sflag:s11] =	ssyncadd.s32 $0xFFFF8000  }
0x50: {  	[tilespmem:s12], [sflag:$0x1] =	stream.indirect.gather [hbm4b:s4+s9], $0x40, s9, s9, $0xb8;
	[tilespmem:$0x10400] =	vst v63  }
0x51: {  	_ =	swait.ge [sflag:s11], $0x8000  }
0x52: {  	[sflag:s11] =	ssyncset.done $0x0  }
0x53: {  	s31 =	sadd.s32 $0xFFFFFFF8, s16;
	[sflag:s11] =	ssyncadd.s32 $0xFFFF8000  }
0x54: {  	[hbm4b:s31+s13] =	stream.strided.scatter [tilespmem:s10], [sflag:$0x2], $0x8000, s14, s13, $0x38;
	[tilespmem:$0x10400] =	vst v63  }
0x55: {  	s15 =	sadd.s32 $0x1, s15;
	_ =	swait.ge [sflag:s8], $0x8000  }
0x56: {  	p0 =	sne.s32 s15, s5;
	[sflag:s8] =	ssyncset.done $0x0  }
.Ltmp1:
0x57: {  	[sflag:s8] =	ssyncadd.s32 $0xFFFF8000;
	(pc) =	sbr.rel @p0 .LBB2_1-.Ltmp1, $4  }
0x58: {  	[hbm4b:s16+s13] =	stream.strided.scatter [tilespmem:s12], [sflag:$0x2], $0x8000, s14, s13, $0x38;
	[tilespmem:$0x10400] =	vst v63  }
0x59: {  	_ =	swait.ge [sflag:s8], $0x8000  }
0x5a: {  	[sflag:s8] =	ssyncset.done $0x0  }
0x5b: {  	[sflag:s8] =	ssyncadd.s32 $0xFFFF8000  }
0x5c: {  	_ =	sfence.sel $0x180000  }
0x5d: {  	[bflag:$0x0] =	sbarrier.arrive $0xFFFF  }
0x5e: {  	p0 =	sne.s32 s1, $0x0;
	_ =	strace $0x90000050  }
0x5f: {  	s0 =	sadd.s32 @!p0 $0x100000, s0;
	[bflag:$0x2] =	sbarrier.arrive $0xFFFF  }
0x60: {  	[sflag:s0] =	ssyncadd.tile.s32 @!p0 $0x1;
	_ =	shalt  }
.Lfunc_end2:
_tile_overlayer_lowered:
.L_overlay_start_2:
0x61: {  	(tag) =	ssettag $0x2  }
0x62: {  	s0 =	rddreg [dreg:$0x0];
	s2 =	stileid.u32  }
0x63: {  	s1 =	rddreg [dreg:$0x1];
	p0 =	sne.s32 s2, $0x0  }
0x64: {  	s3 =	rddreg [dreg:$0x2];
	[bflag:$0x3] =	sbarrier.arrive $0xFFFF;
	s2 =	simm.s32 @!p0 $0x1C02  }
0x65: {  	[timem:s3], [sflag:s2] =	dma.local @!p0 [hbm:s0], s1  }
0x66: {  	s0 =	simm.s32 @!p0 $0x2  }
0x67: {  	_ =	swait.ge @!p0 [sflag:s0], s1  }
0x68: {  	s1 =	ssub.s32 @!p0 $0x0, s1;
	[sflag:s0] =	ssyncset.done @!p0 $0x0  }
0x69: {  	[sflag:s0] =	ssyncadd.s32 @!p0 s1  }
0x6a: {  	[bflag:$0x3] =	sbarrier.arrive $0xFFFF  }
0x6b: {  	_ =	shalt  }

// kernel: kernel.25.cloned.1.call-start
scs
__scs_entry_jumppad:
0x0: {  	(pc) =	sbr.rel $0x88, $3  }
0x1: {  	(tag) =	ssettag $0x0;
	lr =	simm.s32 $0x1  }
0x2: {  	[smem:$0x3F9B] =	sst lr;
	_ =	strace $0xD0000000  }
0x3: {  	_ = 	snop  }
0x4: {  	_ = 	snop  }
0x5: {  	_ = 	snop  }
0x6: {  	_ = 	snop  }
0x7: {  	_ = 	snop  }
__scs_overlays_trampoline_lowered:
0x8: {  	[smem:$0x3FAA] =	sst s0  }
0x9: {  	[smem:$0x3FAB] =	sst s1  }
0xa: {  	[smem:$0x3FAC] =	sst s2  }
0xb: {  	[smem:$0x3FAD] =	sst s3  }
0xc: {  	[smem:$0x3FAE] =	sst s4  }
0xd: {  	[smem:$0x3FAF] =	sst s5  }
0xe: {  	[smem:$0x3FB0] =	sst s6  }
0xf: {  	[smem:$0x3FB1] =	sst s7  }
0x10: {  	[smem:$0x3FB2] =	sst s8  }
0x11: {  	[smem:$0x3FB3] =	sst s9;
	s0 =	simm.s32 @!p0 $0x0  }
0x12: {  	s1 =	sld [smem:$0x3F99];
	s0 =	simm.s32 @p0 $0x1  }
0x13: {  	[smem:$0x3FB4] =	sst s0;
	s0 =	simm.s32 @!p1 $0x0  }
0x14: {  	s2 =	sld [smem:$0x3F98];
	s0 =	simm.s32 @p1 $0x1  }
0x15: {  	[smem:$0x3FB5] =	sst s0;
	s0 =	simm.s32 @!p2 $0x0  }
0x16: {  	s3 =	sld [smem:$0x3FDB];
	s0 =	simm.s32 @p2 $0x1  }
0x17: {  	s4 =	simm.s32 $0x1BF5;
	[smem:$0x3FB7] =	sst s0  }
0x18: {  	s0 =	sld [smem:$0x3F9A];
	_ =	swait.ge [sflag:s4], $0x0  }
0x19: {  	s7 =	sld [smem:$0x3F9B]  }
0x1a: {  	s8 =	sadd.s32 $0xFFFFE003, lr  }
0x1b: {  	s9 =	sadd.s32 $0xFFFFFEF7, lr;
	s5 =	simm.s32 $0xFFFFFFFF;
	p2 =	slt.u32 s8, $0xFFFFF086  }
0x1c: {  	p1 =	slt.u32 s9, $0xF7A;
	s5 =	simm.s32 @!p2 $0x0  }
0x1d: {  	s5 =	simm.s32 @p1 $0x1;
	p0 =	seq.s32 s7, s2  }
0x1e: {  	s7 =	smul.u32 @!p0 $0xF7A, s2;
	p2 =	seq.s32 @!p0 s5, $0x0  }
0x1f: {  	s9 =	smul.u32 $0xF7A, s1;
	s8 =	simm.s32 @!p0 $0x1BF5;
	p2 =	por !p2, p0  }
0x20: {  	[sflag:s8] =	ssyncset.s32 @!p0 $0xFFFFF086;
	s6 =	sadd.s32 @!p0 s3, s7;
	s7 =	simm.s32 @!p0 $0x108  }
0x21: {  	s3 =	sadd.s32 s3, s9;
	s6 =	sadd.s32 @!p0 $0x88, s6;
	s7 =	simm.s32 @p2 $0x1082  }
0x22: {  	[simem:s7], [sflag:s8] =	dma.local @!p0 [hbm:s6], $0xF7A  }
0x23: {  	s9 =	sor.u32 $0xD0000000, s2;
	s6 =	simm.s32 $0x108;
	_ =	swait.ge @!p0 [sflag:s8], $0x0  }
0x24: {  	s3 =	sadd.s32 $0x88, s3;
	s6 =	simm.s32 @!p1 $0x1082;
	[sflag:s4] =	ssyncset.s32 $0xFFFFF086  }
0x25: {  	[simem:s6], [sflag:s4] =	dma.local [hbm:s3], $0xF7A  }
0x26: {  	[smem:$0x3F9B] =	sst s1;
	(tag) =	ssettag s2;
	_ =	strace s9  }
0x27: {  	s1 =	sld [smem:$0x3FAB]  }
0x28: {  	s2 =	sld [smem:$0x3FAC]  }
0x29: {  	s4 =	sld [smem:$0x3FAE]  }
0x2a: {  	p0 =	seq.s32 s5, $0x0;
	s5 =	sld [smem:$0x3FAF]  }
0x2b: {  	s6 =	sld [smem:$0x3FB0]  }
0x2c: {  	s7 =	sld [smem:$0x3FB1]  }
0x2d: {  	s3 =	simm.s32 $0x108;
	s8 =	sld [smem:$0x3FB2]  }
0x2e: {  	s3 =	simm.s32 @!p0 $0x1082;
	s9 =	sld [smem:$0x3FB3]  }
0x2f: {  	lr =	sadd.s32 s0, s3;
	s0 =	sld [smem:$0x3FAA]  }
0x30: {  	s3 =	sld [smem:$0x3FAD]  }
0x31: {  	[smem:$0x3FB6] =	sst s10  }
0x32: {  	s10 =	sld [smem:$0x3FB4];
	_ =	sdelay $0x3  }
0x33: {  	p0 =	seq.s32 s10, $0x1;
	s10 =	sld [smem:$0x3FB6];
	_ =	sdelay $0x3  }
0x34: {  	[smem:$0x3FB6] =	sst s10  }
0x35: {  	s10 =	sld [smem:$0x3FB5];
	_ =	sdelay $0x3  }
0x36: {  	p1 =	seq.s32 s10, $0x1;
	s10 =	sld [smem:$0x3FB6];
	_ =	sdelay $0x3  }
0x37: {  	[smem:$0x3FB6] =	sst s10  }
0x38: {  	s10 =	sld [smem:$0x3FB7]  }
0x39: {  	_ = 	snop;
	(pc) =	sbr.ind lr, $3  }
0x3a: {  	_ = 	snop  }
0x3b: {  	_ = 	snop  }
0x3c: {  	p2 =	seq.s32 s10, $0x1;
	s10 =	sld [smem:$0x3FB6]  }
0x3d: {  	_ =	shalt  }
0x3e: {  	_ =	shalt  }
0x3f: {  	_ =	shalt  }
0x40: {  	_ =	shalt  }
0x41: {  	_ =	shalt  }
0x42: {  	_ =	shalt  }
0x43: {  	_ =	shalt  }
0x44: {  	_ =	shalt  }
0x45: {  	_ =	shalt  }
0x46: {  	_ =	shalt  }
0x47: {  	_ =	shalt  }
0x48: {  	_ =	shalt  }
0x49: {  	_ =	shalt  }
0x4a: {  	_ =	shalt  }
0x4b: {  	_ =	shalt  }
0x4c: {  	_ =	shalt  }
0x4d: {  	_ =	shalt  }
0x4e: {  	_ =	shalt  }
0x4f: {  	_ =	shalt  }
0x50: {  	_ =	shalt  }
0x51: {  	_ =	shalt  }
0x52: {  	_ =	shalt  }
0x53: {  	_ =	shalt  }
0x54: {  	_ =	shalt  }
0x55: {  	_ =	shalt  }
0x56: {  	_ =	shalt  }
0x57: {  	_ =	shalt  }
0x58: {  	_ =	shalt  }
0x59: {  	_ =	shalt  }
0x5a: {  	_ =	shalt  }
0x5b: {  	_ =	shalt  }
0x5c: {  	_ =	shalt  }
0x5d: {  	_ =	shalt  }
0x5e: {  	_ =	shalt  }
0x5f: {  	_ =	shalt  }
0x60: {  	_ =	shalt  }
0x61: {  	_ =	shalt  }
0x62: {  	_ =	shalt  }
0x63: {  	_ =	shalt  }
0x64: {  	_ =	shalt  }
0x65: {  	_ =	shalt  }
0x66: {  	_ =	shalt  }
0x67: {  	_ =	shalt  }
0x68: {  	_ =	shalt  }
0x69: {  	_ =	shalt  }
0x6a: {  	_ =	shalt  }
0x6b: {  	_ =	shalt  }
0x6c: {  	_ =	shalt  }
0x6d: {  	_ =	shalt  }
0x6e: {  	_ =	shalt  }
0x6f: {  	_ =	shalt  }
0x70: {  	_ =	shalt  }
0x71: {  	_ =	shalt  }
0x72: {  	_ =	shalt  }
0x73: {  	_ =	shalt  }
0x74: {  	_ =	shalt  }
0x75: {  	_ =	shalt  }
0x76: {  	_ =	shalt  }
0x77: {  	_ =	shalt  }
0x78: {  	_ =	shalt  }
0x79: {  	_ =	shalt  }
0x7a: {  	_ =	shalt  }
0x7b: {  	_ =	shalt  }
0x7c: {  	_ =	shalt  }
0x7d: {  	_ =	shalt  }
0x7e: {  	_ =	shalt  }
0x7f: {  	_ =	shalt  }
0x80: {  	_ =	shalt  }
0x81: {  	_ =	shalt  }
0x82: {  	_ =	shalt  }
0x83: {  	_ =	shalt  }
0x84: {  	_ =	shalt  }
0x85: {  	_ =	shalt  }
0x86: {  	_ =	shalt  }
0x87: {  	_ =	shalt  }
.Lfunc_end0:
.L_simem_size_0:
called_computation.4_lowered:
.L_overlay_start_0:
0x88: {  	s2 =	sld [smem:$0x3FD9]  }
0x89: {  	s3 =	sld [smem:$0x3FFE];
	_ =	sdelay $0x1  }
0x8a: {  	s1 =	srdreg.scid  }
0x8b: {  	s0 =	sand.u32 $0x1, s1  }
0x8c: {  	s17 =	sshll.u32 s0, $0xA;
	s2 =	sadd.s32 s3, s2  }
0x8d: {  	s2 =	sadd.s32 s2, s17  }
0x8e: {  	[smem:$0x3FC2] =	sst s2  }
0x8f: {  	_ = 	snop  }
0x90: {  	(tm) =	ssettm $0x1  }
0x91: {  	s18 =	sld [smem:$0x3FFB];
	_ =	sdelay $0x3  }
0x92: {  	_ =	strace s18  }
0x93: {  	s2 =	sld [smem:$0x3FFC];
	_ =	sdelay $0x3  }
0x94: {  	_ =	strace s2  }
0x95: {  	s2 =	sld [smem:$0x3FFD];
	_ =	sdelay $0x3  }
0x96: {  	_ =	strace s2  }
0x97: {  	_ =	strace $0x8FFFFFFF  }
0x98: {  	s19 =	sld [smem:$0x3FDB];
	_ =	sdelay $0x1  }
0x99: {  	s20 =	simm.s32 $_scs_section_size  }
0x9a: {  	s4 =	simm.s32 $_size__tile_overlayer_lowered;
	s5 =	simm.s32 $_tile_overlayer_lowered  }
0x9b: {  	s6 =	simm.s32 $0x1BFF;
	s21 =	sshll.u32 s5, $0x1;
	s3 =	sadd.s32 s20, s19  }
0x9c: {  	s22 =	simm.s32 $0x0;
	s4 =	sshll.u32 s4, $0x1;
	s5 =	sadd.s32 s21, s3  }
0x9d: {  	[timem:s22], [sflag:s6] =	dma.local [hbm:s5], s4  }
0x9e: {  	_ =	swait.ge [sflag:s6], s4  }
0x9f: {  	s4 =	ssub.s32 $0x0, s4;
	[sflag:s6] =	ssyncset.done $0x0  }
0xa0: {  	[sflag:s6] =	ssyncadd.s32 s4;
	_ =	sdelay $0x1  }
0xa1: {  	s23 =	simm.s32 $0x1B8B  }
0xa2: {  	_ =	swait.ge [sflag:s23], $0x1  }
0xa3: {  	[sflag:s23] =	ssyncset.done $0x0  }
0xa4: {  	[sflag:s23] =	ssyncadd.s32 $0xFFFFFFFF  }
0xa5: {  	s4 =	sld [smem:$0x0]  }
0xa6: {  	s5 =	sand.u32 $0xFFFFFFFE, s1  }
0xa7: {  	p0 =	sne.s32 s1, s5  }
0xa8: {  	s5 =	sshll.u32 @p0 s5, $0xE  }
0xa9: {  	s5 =	sadd.s32 @p0 $0x11B8D, s5;
	s6 =	sshll.u32 @p0 s4, $0x11  }
0xaa: {  	s5 =	sor.u32 @p0 s6, s5  }
0xab: {  	[sflag:s5] =	ssyncadd.remote.s32 @p0 $0x1;
	_ =	sdelay $0x1  }
0xac: {  	s5 =	simm.s32 @p0 $0x1B8D  }
0xad: {  	_ =	swait.eq @p0 [sflag:s5], $0x1  }
0xae: {  	[sflag:s5] =	ssyncadd.s32 @p0 $0xFFFFFFFF  }
0xaf: {  	s6 =	sshll.u32 @!p0 s1, $0xE  }
0xb0: {  	s6 =	sor.u32 @!p0 $0x4000, s6;
	s5 =	simm.s32 @!p0 $0x1B8D  }
0xb1: {  	s4 =	sshll.u32 @!p0 s4, $0x11;
	s6 =	sadd.s32 @!p0 $0x11B8D, s6;
	_ =	swait.eq @!p0 [sflag:s5], $0x1  }
0xb2: {  	s4 =	sor.u32 @!p0 s4, s6;
	[sflag:s5] =	ssyncadd.s32 @!p0 $0xFFFFFFFF  }
0xb3: {  	s25 =	simm.s32 $0x1B8E;
	s24 =	sld [smem:$0x3FFE];
	[sflag:s4] =	ssyncadd.remote.s32 @!p0 $0x1  }
0xb4: {  	s26 =	simm.s32 $execute0_lowered;
	[smem:$0x3FD2] =	sst s25  }
0xb5: {  	s5 =	sshll.u32 s26, $0x1;
	_ =	strace $0x80000052;
	[dreg:$0x1] =	wrdreg $0xFFFFFFFF  }
0xb6: {  	s28 =	simm.s32 $_size_execute0_lowered;
	s3 =	sadd.s32 s3, s5;
	[dreg:$0x0] =	wrdreg $0x0  }
0xb7: {  	s5 =	sshll.u32 s28, $0x1;
	[dreg:$0x2] =	wrdreg s3  }
0xb8: {  	[dreg:$0x3] =	wrdreg s5  }
0xb9: {  	[dreg:$0x4] =	wrdreg $0xC0  }
0xba: {  	_ =	task [dreg:s22], $0x5FFFF  }
0xbb: {  	[dreg:$0x1] =	wrdreg $0xFFFFFFFF  }
0xbc: {  	[dreg:$0x0] =	wrdreg $0x60  }
0xbd: {  	[dreg:$0x2] =	wrdreg s24  }
0xbe: {  	[dreg:$0x3] =	wrdreg $0xD  }
0xbf: {  	_ =	task.clear_ibuf [dreg:s22], $0x4FFFF;
	_ =	strace $0x90000052  }
0xc0: {  	s29 =	simm.s32 $0xD;
	_ =	strace $0x80000054  }
0xc1: {  	_ =	swait.ge [sflag:s29], $0x1  }
0xc2: {  	[sflag:s29] =	ssyncadd.s32 $0xFFFFFFFF  }
0xc3: {  	_ =	strace $0x90000054  }
0xc4: {  	_ =	sfence  }
0xc5: {  	s30 =	sld [smem:$0x0];
	_ =	sdelay $0x2  }
0xc6: {  	s31 =	sshll.u32 s1, $0xD;
	s1 =	sshrl.u32 s1, $0x2  }
0xc7: {  	s4 =	sand.u32 $0x4000, s31;
	s1 =	sadd.s32 s1, s30  }
0xc8: {  	s0 =	sor.u32 s4, s0;
	s1 =	sshll.u32 s1, $0x11  }
0xc9: {  	s0 =	sor.u32 s1, s0  }
0xca: {  	s0 =	sadd.s32 $0x8F2B, s0  }
0xcb: {  	[sflag:s0] =	ssyncadd.remote.s32 $0x1  }
0xcc: {  	_ =	sfence.sel $0xFFFF  }
0xcd: {  	[dreg:$0x0] =	wrdreg $0xFFFFFFFF;
	(pc) =	sbr.abs _section_cstart, $3  }
0xce: {  	[dreg:$0x1] =	wrdreg $0xFFFFFFFF  }
0xcf: {  	_ =	task.clear_ibuf [dreg:s22], $0x2FFFF;
	_ =	strace $0x9FFFFFFF  }
0xd0: {  	(tm) =	ssettm $0x7FFFFFFF  }
0xd1: {  	_ =	shalt  }
tec
execute0_lowered:
.L_overlay_start_1:
0x0: {  	(tag) =	ssettag $0x1  }
0x1: {  	s5 =	rddreg [dreg:$0x0]  }
0x2: {  	s0 =	rddreg [dreg:$0x1];
	s1 =	stileid.u32  }
0x3: {  	s2 =	simm.s32 $0x0;
	s3 =	srdreg.scid;
	s13 =	simm.s32 $0x40  }
0x4: {  	s14 =	simm.s32 $0x80;
	s15 =	simm.s32 $0x0;
	s6 =	smul.u32 $0x14000, s1  }
0x5: {  	[smem:$0x7FF] =	sst s2;
	s4 =	sand.u32 $0x1, s3;
	s7 =	smul.u32 $0x1400, s1  }
0x6: {  	s3 =	sadd.s32 $0x906800, s5;
	s8 =	ssub.s32 $0x2, s4;
	s9 =	smul.u32 $0xA00, s4  }
0x7: {  	_ =	strace $0x80000053;
	s11 =	smul.u32 $0xA000, s4;
	s10 =	sshrl.u32 s8, $0x1  }
0x8: {  	s4 =	sadd.s32 $0x7600, s5;
	s12 =	sadd.s32 s6, s5;
	s30 =	ssub.s32 s8, s10  }
0x9: {  	s6 =	sadd.s32 s9, s7;
	s31 =	sadd.s32 s11, s12;
	s8 =	simm.s32 $0x2  }
0xa: {  	s9 =	simm.s32 $0x200;
	s10 =	simm.s32 $0x400;
	s11 =	simm.s32 $0x1  }
0xb: {  	s12 =	simm.s32 $0x8400;
	s5 =	smax.u32 s30, $0x1;
	s7 =	sadd.s32 $0xCCB808, s31  }
.LBB2_1:
0xc: {  	s16 =	sand.u32 $0xFFFFF800, s6  }
0xd: {  	s16 =	sadd.s32 s16, s6  }
0xe: {  	s16 =	sadd.s32 $0x0, s16  }
0xf: {  	s17 =	sshrl.u32 s16, $0x3  }
0x10: {  	s17 =	sadd.s32 s3, s17  }
0x11: {  	[tilespmem:s2], [sflag:$0x2] =	stream.linear.gather [hbm4b:s17+s2], $0x200, $0x38;
	[tilespmem:$0x10400] =	vst v63  }
0x12: {  	s16 =	sadd.s32 $0x800, s16;
	_ =	swait.ge [sflag:s8], $0x200  }
0x13: {  	s16 =	sshrl.u32 s16, $0x3;
	[sflag:s8] =	ssyncset.done $0x0  }
0x14: {  	s16 =	sadd.s32 s3, s16;
	[sflag:s8] =	ssyncadd.s32 $0xFFFFFE00  }
0x15: {  	[tilespmem:s9], [sflag:$0x2] =	stream.linear.gather [hbm4b:s16+s2], $0x200, $0x38;
	[tilespmem:$0x10400] =	vst v63  }
0x16: {  	_ =	swait.ge [sflag:s8], $0x200  }
0x17: {  	[sflag:s8] =	ssyncset.done $0x0  }
0x18: {  	[sflag:s8] =	ssyncadd.s32 $0xFFFFFE00  }
0x19: {  	[tilespmem:s10], [sflag:$0x1] =	stream.indirect.gather [hbm4b:s4+s9], $0x40, s2, s9, $0xb8;
	[tilespmem:$0x10400] =	vst v63  }
0x1a: {  	_ =	swait.ge [sflag:s11], $0x8000  }
0x1b: {  	[sflag:s11] =	ssyncset.done $0x0  }
0x1c: {  	[sflag:s11] =	ssyncadd.s32 $0xFFFF8000  }
0x1d: {  	[tilespmem:s12], [sflag:$0x1] =	stream.indirect.gather [hbm4b:s4+s9], $0x40, s9, s9, $0xb8;
	[tilespmem:$0x10400] =	vst v63  }
0x1e: {  	_ =	swait.ge [sflag:s11], $0x8000  }
0x1f: {  	[sflag:s11] =	ssyncset.done $0x0  }
0x20: {  	s30 =	sadd.s32 $0xFFFFFFF8, s7;
	[sflag:s11] =	ssyncadd.s32 $0xFFFF8000  }
0x21: {  	[hbm4b:s30+s13] =	stream.strided.scatter [tilespmem:s10], [sflag:$0x2], $0x8000, s14, s13, $0x38;
	[tilespmem:$0x10400] =	vst v63  }
0x22: {  	_ =	swait.ge [sflag:s8], $0x8000  }
0x23: {  	s17 =	sadd.s32 $0x200, s6;
	[sflag:s8] =	ssyncset.done $0x0  }
0x24: {  	s31 =	sand.u32 $0xFFFFF800, s17;
	[sflag:s8] =	ssyncadd.s32 $0xFFFF8000  }
0x25: {  	[hbm4b:s7+s13] =	stream.strided.scatter [tilespmem:s12], [sflag:$0x2], $0x8000, s14, s13, $0x38;
	[tilespmem:$0x10400] =	vst v63  }
0x26: {  	s19 =	simm.s32 $0x400;
	s16 =	sadd.s32 s31, s6;
	_ =	swait.ge [sflag:s8], $0x8000  }
0x27: {  	s18 =	sadd.s32 $0x200, s16;
	s16 =	sadd.s32 $0x2000, s7;
	[sflag:s8] =	ssyncset.done $0x0  }
.LBB2_2:
0x28: {  	s20 =	sshrl.u32 s18, $0x3  }
0x29: {  	[sflag:s8] =	ssyncadd.s32 $0xFFFF8000;
	s21 =	smov.u32 s19;
	s22 =	sadd.s32 $0x200, s19  }
0x2a: {  	p0 =	sne.s32 s19, $0x800;
	s19 =	sadd.s32 s3, s20  }
0x2b: {  	[tilespmem:s2], [sflag:$0x2] =	stream.linear.gather [hbm4b:s19+s2], $0x200, $0x38;
	[tilespmem:$0x10400] =	vst v63  }
0x2c: {  	s18 =	sadd.s32 $0x800, s18;
	_ =	swait.ge [sflag:s8], $0x200  }
0x2d: {  	s18 =	sshrl.u32 s18, $0x3;
	[sflag:s8] =	ssyncset.done $0x0  }
0x2e: {  	s18 =	sadd.s32 s3, s18;
	[sflag:s8] =	ssyncadd.s32 $0xFFFFFE00  }
0x2f: {  	[tilespmem:s9], [sflag:$0x2] =	stream.linear.gather [hbm4b:s18+s2], $0x200, $0x38;
	[tilespmem:$0x10400] =	vst v63  }
0x30: {  	_ =	swait.ge [sflag:s8], $0x200  }
0x31: {  	[sflag:s8] =	ssyncset.done $0x0  }
0x32: {  	[sflag:s8] =	ssyncadd.s32 $0xFFFFFE00  }
0x33: {  	[tilespmem:s10], [sflag:$0x1] =	stream.indirect.gather [hbm4b:s4+s9], $0x40, s2, s9, $0xb8;
	[tilespmem:$0x10400] =	vst v63  }
0x34: {  	_ =	swait.ge [sflag:s11], $0x8000  }
0x35: {  	[sflag:s11] =	ssyncset.done $0x0  }
0x36: {  	[sflag:s11] =	ssyncadd.s32 $0xFFFF8000  }
0x37: {  	[tilespmem:s12], [sflag:$0x1] =	stream.indirect.gather [hbm4b:s4+s9], $0x40, s9, s9, $0xb8;
	[tilespmem:$0x10400] =	vst v63  }
0x38: {  	_ =	swait.ge [sflag:s11], $0x8000  }
0x39: {  	[sflag:s11] =	ssyncset.done $0x0  }
0x3a: {  	s18 =	sadd.s32 $0xFFFFFFF8, s16;
	[sflag:s11] =	ssyncadd.s32 $0xFFFF8000  }
0x3b: {  	[hbm4b:s18+s13] =	stream.strided.scatter [tilespmem:s10], [sflag:$0x2], $0x8000, s14, s13, $0x38;
	[tilespmem:$0x10400] =	vst v63  }
0x3c: {  	_ =	swait.ge [sflag:s8], $0x8000  }
.Ltmp0:
0x3d: {  	s17 =	sadd.s32 $0x200, s17;
	[sflag:s8] =	ssyncset.done $0x0;
	(pc) =	sbr.rel @p0 .LBB2_2-.Ltmp0, $4  }
0x3e: {  	s18 =	sand.u32 $0xFFFFF800, s17;
	[sflag:s8] =	ssyncadd.s32 $0xFFFF8000  }
0x3f: {  	[hbm4b:s16+s13] =	stream.strided.scatter [tilespmem:s12], [sflag:$0x2], $0x8000, s14, s13, $0x38;
	[tilespmem:$0x10400] =	vst v63  }
0x40: {  	s19 =	smov.u32 s22;
	s18 =	sadd.s32 s18, s6;
	_ =	swait.ge [sflag:s8], $0x8000  }
0x41: {  	s18 =	sadd.s32 s18, s21;
	s16 =	sadd.s32 $0x2000, s16;
	[sflag:s8] =	ssyncset.done $0x0  }
0x42: {  	s17 =	sshrl.u32 s18, $0x3  }
0x43: {  	[sflag:s8] =	ssyncadd.s32 $0xFFFF8000;
	s17 =	sadd.s32 s3, s17  }
0x44: {  	[tilespmem:s2], [sflag:$0x2] =	stream.linear.gather [hbm4b:s17+s2], $0x200, $0x38;
	[tilespmem:$0x10400] =	vst v63  }
0x45: {  	s30 =	sadd.s32 $0x800, s18;
	_ =	swait.ge [sflag:s8], $0x200  }
0x46: {  	s17 =	sshrl.u32 s30, $0x3;
	[sflag:s8] =	ssyncset.done $0x0  }
0x47: {  	s17 =	sadd.s32 s3, s17;
	[sflag:s8] =	ssyncadd.s32 $0xFFFFFE00  }
0x48: {  	[tilespmem:s9], [sflag:$0x2] =	stream.linear.gather [hbm4b:s17+s2], $0x200, $0x38;
	[tilespmem:$0x10400] =	vst v63  }
0x49: {  	_ =	swait.ge [sflag:s8], $0x200  }
0x4a: {  	[sflag:s8] =	ssyncset.done $0x0  }
0x4b: {  	[sflag:s8] =	ssyncadd.s32 $0xFFFFFE00  }
0x4c: {  	[tilespmem:s10], [sflag:$0x1] =	stream.indirect.gather [hbm4b:s4+s9], $0x40, s2, s9, $0xb8;
	[tilespmem:$0x10400] =	vst v63  }
0x4d: {  	_ =	swait.ge [sflag:s11], $0x8000  }
0x4e: {  	[sflag:s11] =	ssyncset.done $0x0  }
0x4f: {  	[sflag:s11] =	ssyncadd.s32 $0xFFFF8000  }
0x50: {  	[tilespmem:s12], [sflag:$0x1] =	stream.indirect.gather [hbm4b:s4+s9], $0x40, s9, s9, $0xb8;
	[tilespmem:$0x10400] =	vst v63  }
0x51: {  	_ =	swait.ge [sflag:s11], $0x8000  }
0x52: {  	[sflag:s11] =	ssyncset.done $0x0  }
0x53: {  	s31 =	sadd.s32 $0xFFFFFFF8, s16;
	[sflag:s11] =	ssyncadd.s32 $0xFFFF8000  }
0x54: {  	[hbm4b:s31+s13] =	stream.strided.scatter [tilespmem:s10], [sflag:$0x2], $0x8000, s14, s13, $0x38;
	[tilespmem:$0x10400] =	vst v63  }
0x55: {  	s15 =	sadd.s32 $0x1, s15;
	_ =	swait.ge [sflag:s8], $0x8000  }
0x56: {  	p0 =	sne.s32 s15, s5;
	[sflag:s8] =	ssyncset.done $0x0  }
.Ltmp1:
0x57: {  	[sflag:s8] =	ssyncadd.s32 $0xFFFF8000;
	(pc) =	sbr.rel @p0 .LBB2_1-.Ltmp1, $4  }
0x58: {  	[hbm4b:s16+s13] =	stream.strided.scatter [tilespmem:s12], [sflag:$0x2], $0x8000, s14, s13, $0x38;
	[tilespmem:$0x10400] =	vst v63  }
0x59: {  	_ =	swait.ge [sflag:s8], $0x8000  }
0x5a: {  	[sflag:s8] =	ssyncset.done $0x0  }
0x5b: {  	[sflag:s8] =	ssyncadd.s32 $0xFFFF8000  }
0x5c: {  	_ =	sfence.sel $0x180000  }
0x5d: {  	[bflag:$0x0] =	sbarrier.arrive $0xFFFF  }
0x5e: {  	p0 =	sne.s32 s1, $0x0;
	_ =	strace $0x90000053  }
0x5f: {  	s0 =	sadd.s32 @!p0 $0x100000, s0;
	[bflag:$0x2] =	sbarrier.arrive $0xFFFF  }
0x60: {  	[sflag:s0] =	ssyncadd.tile.s32 @!p0 $0x1;
	_ =	shalt  }
.Lfunc_end2:
_tile_overlayer_lowered:
.L_overlay_start_2:
0x61: {  	(tag) =	ssettag $0x2  }
0x62: {  	s0 =	rddreg [dreg:$0x0];
	s2 =	stileid.u32  }
0x63: {  	s1 =	rddreg [dreg:$0x1];
	p0 =	sne.s32 s2, $0x0  }
0x64: {  	s3 =	rddreg [dreg:$0x2];
	[bflag:$0x3] =	sbarrier.arrive $0xFFFF;
	s2 =	simm.s32 @!p0 $0x1C02  }
0x65: {  	[timem:s3], [sflag:s2] =	dma.local @!p0 [hbm:s0], s1  }
0x66: {  	s0 =	simm.s32 @!p0 $0x2  }
0x67: {  	_ =	swait.ge @!p0 [sflag:s0], s1  }
0x68: {  	s1 =	ssub.s32 @!p0 $0x0, s1;
	[sflag:s0] =	ssyncset.done @!p0 $0x0  }
0x69: {  	[sflag:s0] =	ssyncadd.s32 @!p0 s1  }
0x6a: {  	[bflag:$0x3] =	sbarrier.arrive $0xFFFF  }
0x6b: {  	_ =	shalt  }

</sc_bundles>
